<compile_context>
chip_gen: v7x
topology: tpu7x:2x2x1
jax: 0.10.2.dev20260603
libtpu: 0.0.44.dev20260713+nightly
codegen_flags: <defaults>
</compile_context>

<pallas_src>
import functools

import jax
import jax.numpy as jnp
from jax import lax
from jax.experimental import pallas as pl
from jax.experimental.pallas import tpu as pltpu
from jax.experimental.pallas import tpu_sc as plsc

N = 100000
E = 1600000
H = 32
HH = H // 2

NC = 2
NS = 16
NW = NC * NS
NP = N // NS

KA = 6256
TA = 8 * KA
EA = TA * NW

TC_E = E // NS
KC = 800

_LRELU = 0.01
_INV_SQRT_H = 1.0 / (H ** 0.5)
_P = lax.Precision.HIGHEST


def _seg_sum_l1(x8, srcp, dstp, zeros_a):
    mesh = plsc.VectorSubcoreMesh(core_axis_name="c", subcore_axis_name="s")

    @functools.partial(
        pl.kernel,
        out_type=jax.ShapeDtypeStruct((NC * N, 8), jnp.float32),
        mesh=mesh,
        scratch_types=[
            pltpu.VMEM((KA,), jnp.int32),
            pltpu.VMEM((KA,), jnp.int32),
            pltpu.VMEM((KA, 8), jnp.float32),
            pltpu.VMEM_SHARED((N + 8, 8), jnp.float32),
            pltpu.SemaphoreType.DMA,
        ],
        compiler_params=pltpu.CompilerParams(use_tc_tiling_on_sc=False),
    )
    def k(x8_hbm, src_hbm, dst_hbm, z_hbm, out_hbm, idx_v, dst_v, rows_v,
          accum, sem):
        c = lax.axis_index("c")
        s = lax.axis_index("s")
        wid = s * NC + c
        pltpu.sync_copy(z_hbm.at[pl.ds(s * NP, NP), :],
                        accum.at[pl.ds(s * NP, NP), :])
        plsc.subcore_barrier()
        base = wid * TA

        def body(j, carry):
            off = base + j * KA
            pltpu.sync_copy(src_hbm.at[pl.ds(off, KA)], idx_v)
            pltpu.async_copy(x8_hbm.at[idx_v], rows_v, sem).wait()
            pltpu.sync_copy(dst_hbm.at[pl.ds(off, KA)], dst_v)
            pltpu.sync_copy(rows_v, accum.at[dst_v], add=True)
            return carry

        lax.fori_loop(0, TA // KA, body, 0)
        plsc.subcore_barrier()
        pltpu.sync_copy(accum.at[pl.ds(s * NP, NP), :],
                        out_hbm.at[pl.ds(c * N + s * NP, NP), :])

    return k(x8, srcp, dstp, zeros_a)


def _seg_sum_l2(h1s, src, dst, zeros_c):
    mesh = plsc.VectorSubcoreMesh(core_axis_name="c", subcore_axis_name="s")

    @functools.partial(
        pl.kernel,
        out_type=jax.ShapeDtypeStruct((NC * N, HH), jnp.float32),
        mesh=mesh,
        scratch_types=[
            pltpu.VMEM((KC,), jnp.int32),
            pltpu.VMEM((KC,), jnp.int32),
            pltpu.VMEM((KC,), jnp.int32),
            pltpu.VMEM((KC,), jnp.int32),
            pltpu.VMEM((KC, HH), jnp.float32),
            pltpu.VMEM((KC, HH), jnp.float32),
            pltpu.SemaphoreType.DMA,
            pltpu.SemaphoreType.DMA,
            pltpu.VMEM_SHARED((N, HH), jnp.float32),
        ],
        compiler_params=pltpu.CompilerParams(use_tc_tiling_on_sc=False),
    )
    def k(h1_hbm, src_hbm, dst_hbm, z_hbm, out_hbm, idx0, idx1, dst0, dst1,
          rows0, rows1, sem0, sem1, accum):
        c = lax.axis_index("c")
        s = lax.axis_index("s")
        pltpu.sync_copy(z_hbm.at[pl.ds(s * NP, NP), :],
                        accum.at[pl.ds(s * NP, NP), :])
        plsc.subcore_barrier()
        ebase = s * TC_E
        cN = jnp.broadcast_to(c * N, (16,))
        idx = (idx0, idx1)
        dstb = (dst0, dst1)
        rows = (rows0, rows1)
        sems = (sem0, sem1)
        nch = TC_E // KC

        def load_and_fire(j, b):
            off = ebase + j * KC
            pltpu.sync_copy(src_hbm.at[pl.ds(off, KC)], idx[b])

            def add_off(i, carry2):
                idx[b][pl.ds(i * 16, 16)] = idx[b][pl.ds(i * 16, 16)] + cN
                return carry2

            lax.fori_loop(0, KC // 16, add_off, 0)
            pltpu.sync_copy(dst_hbm.at[pl.ds(off, KC)], dstb[b])
            pltpu.async_copy(h1_hbm.at[idx[b]], rows[b], sems[b])

        def drain_and_add(b):
            pltpu.make_async_copy(h1_hbm.at[idx[b]], rows[b], sems[b]).wait()
            pltpu.sync_copy(rows[b], accum.at[dstb[b]], add=True)

        load_and_fire(0, 0)

        def outer(k2, carry):
            for b in (0, 1):
                j = 2 * k2 + b
                load_and_fire(j + 1, 1 - b)
                drain_and_add(b)
            return carry

        lax.fori_loop(0, (nch - 1) // 2, outer, 0)
        drain_and_add(0)
        plsc.subcore_barrier()
        pltpu.sync_copy(accum.at[pl.ds(s * NP, NP), :],
                        out_hbm.at[pl.ds(c * N + s * NP, NP), :])

    return k(h1s, src, dst, zeros_c)


BB = 4000
NB = N // BB


def _tc_h1(aggp, pos, W_l1, b_l1, W_r1, W_se1):
    def body(a0_ref, a1_ref, x_ref, wl_ref, bl_ref, wr_ref, wse_ref,
             out_ref):
        agg = a0_ref[:, :2] + a1_ref[:, :2]
        x = x_ref[:, :2]
        z = (agg[:, 0:1] * wl_ref[0:1, :] + agg[:, 1:2] * wl_ref[1:2, :]
             + x[:, 0:1] * wr_ref[0:1, :] + x[:, 1:2] * wr_ref[1:2, :]
             + bl_ref[...])
        z = jnp.where(z > 0, z, _LRELU * z)
        out_ref[...] = jnp.dot(z, wse_ref[0],
                               preferred_element_type=jnp.float32,
                               precision=_P) * _INV_SQRT_H

    return pl.pallas_call(
        body,
        grid=(2, NB),
        in_specs=[
            pl.BlockSpec((BB, 8), lambda h, i: (i, 0)),
            pl.BlockSpec((BB, 8), lambda h, i: (NB + i, 0)),
            pl.BlockSpec((BB, 3), lambda h, i: (i, 0)),
            pl.BlockSpec((2, H), lambda h, i: (0, 0)),
            pl.BlockSpec((1, H), lambda h, i: (0, 0)),
            pl.BlockSpec((2, H), lambda h, i: (0, 0)),
            pl.BlockSpec((1, H, HH), lambda h, i: (h, 0, 0)),
        ],
        out_specs=pl.BlockSpec((BB, HH), lambda h, i: (h * NB + i, 0)),
        out_shape=jax.ShapeDtypeStruct((2 * N, HH), jnp.float32),
    )(aggp, aggp, pos, W_l1, b_l1, W_r1, W_se1)


def _tc_head(agg2s, h1s, Wcat, b_l2, W_se2, W_m3, b_m3, W_m4, b_m4,
             alpha):
    def body(a0_ref, a1_ref, h0_ref, h1_ref, wcat_ref, bl_ref, wse_ref,
             wm3_ref, bm3_ref, wm4_ref, bm4_ref, al_ref, out_ref):
        zcat = jnp.concatenate(
            [a0_ref[...], a1_ref[...], h0_ref[...], h1_ref[...]], axis=1)
        h1 = zcat[:, H:]
        z = jnp.dot(zcat, wcat_ref[...], preferred_element_type=jnp.float32,
                    precision=_P) + bl_ref[...]
        z = jnp.where(z > 0, z, _LRELU * z)
        m = jnp.dot(wse_ref[...], wm3_ref[...],
                    preferred_element_type=jnp.float32,
                    precision=_P) * _INV_SQRT_H
        o = (al_ref[0, 0]
             * jnp.dot(h1, wm3_ref[...], preferred_element_type=jnp.float32,
                       precision=_P)
             + jnp.dot(z, m, preferred_element_type=jnp.float32,
                       precision=_P)
             + bm3_ref[...])
        o = jnp.maximum(o, 0.0)
        out_ref[...] = (jnp.dot(o, wm4_ref[...],
                                preferred_element_type=jnp.float32,
                                precision=_P)
                        + bm4_ref[...])

    return pl.pallas_call(
        body,
        grid=(NB,),
        in_specs=[
            pl.BlockSpec((BB, HH), lambda i: (i, 0)),
            pl.BlockSpec((BB, HH), lambda i: (NB + i, 0)),
            pl.BlockSpec((BB, HH), lambda i: (i, 0)),
            pl.BlockSpec((BB, HH), lambda i: (NB + i, 0)),
            pl.BlockSpec((2 * H, H), lambda i: (0, 0)),
            pl.BlockSpec((1, H), lambda i: (0, 0)),
            pl.BlockSpec((H, H), lambda i: (0, 0)),
            pl.BlockSpec((H, H), lambda i: (0, 0)),
            pl.BlockSpec((1, H), lambda i: (0, 0)),
            pl.BlockSpec((H, 1), lambda i: (0, 0)),
            pl.BlockSpec((1, 1), lambda i: (0, 0)),
            pl.BlockSpec((1, 1), lambda i: (0, 0), memory_space=pltpu.SMEM),
        ],
        out_specs=pl.BlockSpec((BB, 1), lambda i: (i, 0)),
        out_shape=jax.ShapeDtypeStruct((N, 1), jnp.float32),
    )(agg2s, agg2s, h1s, h1s, Wcat, b_l2, W_se2, W_m3, b_m3, W_m4,
      b_m4, alpha)


def kernel(pos, edge_index, W_l1, b_l1, W_r1, W_se1, W_l2, b_l2, W_r2,
           W_se2, W_m3, b_m3, W_m4, b_m4, alpha):
    eip = jnp.pad(edge_index, ((0, 0), (0, EA - E)), constant_values=N)
    srcp, dstp = eip[0], eip[1]
    src, dst = edge_index[0], edge_index[1]
    x8 = jnp.pad(pos, ((0, 8), (0, 5)))
    zeros_a = jnp.zeros((N, 8), jnp.float32)
    zeros_c = jnp.zeros((N, HH), jnp.float32)

    aggp = _seg_sum_l1(x8, srcp, dstp, zeros_a)

    wse1h = W_se1.reshape(H, 2, HH).transpose(1, 0, 2)
    h1s = _tc_h1(aggp, pos, W_l1, b_l1.reshape(1, H), W_r1, wse1h)

    agg2s = _seg_sum_l2(h1s, src, dst, zeros_c)

    Wcat = jnp.concatenate([W_l2, W_r2], axis=0)
    pred = _tc_head(agg2s, h1s, Wcat, b_l2.reshape(1, H), W_se2,
                    W_m3, b_m3.reshape(1, H), W_m4, b_m4.reshape(1, 1),
                    jnp.asarray(alpha, jnp.float32).reshape(1, 1))
    return pred[:, 0]

# --- scband reference (transcript-rebuilt; emitter-appended) ---
"""Pipeline reference for scband-se3-gnnpredictor-29884382446300 (READ-ONLY COPY).

The authoritative reference and input builder live on the scoring server;
editing this copy changes nothing except your own understanding.
"""

import jax, jax.numpy as jnp
import numpy as np

N = 100000
E = 1600000
H = 32

def setup_inputs(seed: int = 0) -> dict:
    key = jax.random.key(seed)
    ks = jax.random.split(key, 16)
    inp = {}
    inp["pos"] = jax.random.normal(ks[0], (N, 3), dtype=jnp.float32)
    inp["edge_index"] = jax.random.randint(ks[1], (2, E), 0, N, dtype=jnp.int32)
    # SAGEConv 1: lin_l (bias=True) on aggregated neighbors, lin_r (bias=False) on root
    inp["W_l1"] = jax.random.normal(ks[2], (2, H), dtype=jnp.float32) / np.sqrt(2.0)
    inp["b_l1"] = jnp.zeros((H,), dtype=jnp.float32)
    inp["W_r1"] = jax.random.normal(ks[3], (2, H), dtype=jnp.float32) / np.sqrt(2.0)
    # SE3Linear('32x0e','32x0e') == channel-mixing linear, no bias, e3nn path norm 1/sqrt(fan_in)
    inp["W_se1"] = jax.random.normal(ks[4], (H, H), dtype=jnp.float32)
    # SAGEConv 2
    inp["W_l2"] = jax.random.normal(ks[5], (H, H), dtype=jnp.float32) / np.sqrt(float(H))
    inp["b_l2"] = jnp.zeros((H,), dtype=jnp.float32)
    inp["W_r2"] = jax.random.normal(ks[6], (H, H), dtype=jnp.float32) / np.sqrt(float(H))
    inp["W_se2"] = jax.random.normal(ks[7], (H, H), dtype=jnp.float32)
    # mlp3: Linear(H,H) + ReLU (+Dropout, identity in eval)
    inp["W_m3"] = jax.random.normal(ks[8], (H, H), dtype=jnp.float32) / np.sqrt(float(H))
    inp["b_m3"] = jnp.zeros((H,), dtype=jnp.float32)
    # mlp4: Linear(H,1)
    inp["W_m4"] = jax.random.normal(ks[9], (H, 1), dtype=jnp.float32) / np.sqrt(float(H))
    inp["b_m4"] = jnp.zeros((1,), dtype=jnp.float32)
    inp["alpha"] = jnp.float32(0.5)
    return inp


def reference(pos, edge_index, W_l1, b_l1, W_r1, W_se1, W_l2, b_l2, W_r2, W_se2, W_m3, b_m3, W_m4, b_m4, alpha):
    src = edge_index[0]
    dst = edge_index[1]
    x = pos[:, :2]

    def sage(h, Wl, bl, Wr):
        # PyG SAGEConv(aggr='sum'): gather x[src], scatter-add at dst
        agg = jax.ops.segment_sum(h[src], dst, num_segments=N)
        return agg @ Wl + bl + h @ Wr

    h1 = jax.nn.leaky_relu(sage(x, W_l1, b_l1, W_r1), 0.01)
    # dropout identity (eval mode)
    h1 = (h1 @ W_se1) / jnp.sqrt(jnp.float32(H))  # e3nn Linear path normalization
    h2 = jax.nn.leaky_relu(sage(h1, W_l2, b_l2, W_r2), 0.01)
    h2 = (h2 @ W_se2) / jnp.sqrt(jnp.float32(H))
    skip = alpha * h1 + h2
    out = jax.nn.relu(skip @ W_m3 + b_m3)
    pred = out @ W_m4 + b_m4
    return pred.squeeze(-1)

if __name__ == "__main__":
    import jax
    _d = setup_inputs()
    print(jax.jit(kernel)(*tuple(_d.values())))

</pallas_src>

<mosaic_0001>
#map = affine_map<(d0, d1) -> (0, 0)>
#map1 = affine_map<(d0, d1) -> (0)>
module attributes {stable_mosaic.version = 14 : i64} {
  func.func @k(%arg0: i32, %arg1: i32, %arg2: memref<200000x16xf32, #tpu.memory_space<hbm>>, %arg3: memref<1600000xi32, #tpu.memory_space<hbm>>, %arg4: memref<1600000xi32, #tpu.memory_space<hbm>>, %arg5: memref<100000x16xf32, #tpu.memory_space<hbm>>, %arg6: memref<200000x16xf32, #tpu.memory_space<hbm>>, %arg7: memref<800xi32, #tpu.memory_space<vmem>>, %arg8: memref<800xi32, #tpu.memory_space<vmem>>, %arg9: memref<800xi32, #tpu.memory_space<vmem>>, %arg10: memref<800xi32, #tpu.memory_space<vmem>>, %arg11: memref<800x16xf32, #tpu.memory_space<vmem>>, %arg12: memref<800x16xf32, #tpu.memory_space<vmem>>, %arg13: memref<!tpu.dma_semaphore, #tpu.memory_space<semaphore_mem>>, %arg14: memref<!tpu.dma_semaphore, #tpu.memory_space<semaphore_mem>>, %arg15: memref<100000x16xf32, #tpu.memory_space<vmem_shared>>) attributes {dimension_semantics = [#tpu.dimension_semantics<core_parallel>, #tpu.dimension_semantics<subcore_parallel>], iteration_bounds = array<i64: 2, 16>, scalar_prefetch = 0 : i64, scratch_operands = 9 : i64, tpu.core_type = #tpu.core_type<sc_vector_subcore>, window_params = [{transform_indices = #map}, {transform_indices = #map1}, {transform_indices = #map1}, {transform_indices = #map}, {transform_indices = #map}]} {
    %mul3A = arith.constant 6250 : i32
    %mul3A_0 = arith.muli %arg1, %mul3A : i32
    %mul3A_1 = arith.constant 6250 : i32
    %mul3A_2 = arith.muli %arg1, %mul3A_1 : i32
    "tpu.region"() ({
      %run_scoped3A = tpu.sem_alloc : memref<!tpu.dma_semaphore, #tpu.memory_space<semaphore_mem>>
      %dma_start3A_31 = arith.constant 0 : i32
      %dma_start3A_32 = tpu.memref_slice %arg15[%mul3A_2, %dma_start3A_31] : memref<100000x16xf32, #tpu.memory_space<vmem_shared>> -> memref<6250x16xf32, #tpu.memory_space<vmem_shared>>
      %dma_start3A_33 = arith.constant 0 : i32
      %dma_start3A_34 = tpu.memref_slice %arg5[%mul3A_0, %dma_start3A_33] : memref<100000x16xf32, #tpu.memory_space<hbm>> -> memref<6250x16xf32, #tpu.memory_space<hbm>>
      tpu.enqueue_dma source(%dma_start3A_34 : memref<6250x16xf32, #tpu.memory_space<hbm>>) target(%dma_start3A_32 : memref<6250x16xf32, #tpu.memory_space<vmem_shared>>) target_semaphore(%run_scoped3A : memref<!tpu.dma_semaphore, #tpu.memory_space<semaphore_mem>>)
      %dma_wait3A_35 = arith.constant 0 : i32
      %dma_wait3A_36 = tpu.memref_slice %arg15[%mul3A_2, %dma_wait3A_35] : memref<100000x16xf32, #tpu.memory_space<vmem_shared>> -> memref<6250x16xf32, #tpu.memory_space<vmem_shared>>
      %dma_wait3A_37 = arith.constant 0 : i32
      %dma_wait3A_38 = tpu.memref_slice %arg5[%mul3A_0, %dma_wait3A_37] : memref<100000x16xf32, #tpu.memory_space<hbm>> -> memref<6250x16xf32, #tpu.memory_space<hbm>>
      tpu.wait_dma2 semaphore(%run_scoped3A : memref<!tpu.dma_semaphore, #tpu.memory_space<semaphore_mem>>) src(%dma_wait3A_38 : memref<6250x16xf32, #tpu.memory_space<hbm>>) dst(%dma_wait3A_36 : memref<6250x16xf32, #tpu.memory_space<vmem_shared>>)
      tpu.yield
    }) : () -> ()
    %barrier3A = arith.constant 0 : index
    tpu.barrier barrier_id(%barrier3A)
    %mul3A_3 = arith.constant 100000 : i32
    %mul3A_4 = arith.muli %arg1, %mul3A_3 : i32
    %mul3A_5 = arith.constant 100000 : i32
    %mul3A_6 = arith.muli %arg0, %mul3A_5 : i32
    %broadcast_in_dim3A = vector.broadcast %mul3A_6 : i32 to vector<16xi32>
    %add3A = arith.constant 0 : i32
    %add3A_7 = arith.addi %mul3A_4, %add3A : i32
    "tpu.region"() ({
      %run_scoped3A = tpu.sem_alloc : memref<!tpu.dma_semaphore, #tpu.memory_space<semaphore_mem>>
      %dma_start3A_31 = tpu.memref_slice %arg3[%add3A_7] : memref<1600000xi32, #tpu.memory_space<hbm>> -> memref<800xi32, #tpu.memory_space<hbm>>
      %dma_start3A_32 = tpu.memref_slice %arg3[%add3A_7] : memref<1600000xi32, #tpu.memory_space<hbm>> -> memref<800xi32, #tpu.memory_space<hbm>>
      tpu.enqueue_dma source(%dma_start3A_32 : memref<800xi32, #tpu.memory_space<hbm>>) target(%arg7 : memref<800xi32, #tpu.memory_space<vmem>>) target_semaphore(%run_scoped3A : memref<!tpu.dma_semaphore, #tpu.memory_space<semaphore_mem>>)
      %dma_wait3A_33 = tpu.memref_slice %arg3[%add3A_7] : memref<1600000xi32, #tpu.memory_space<hbm>> -> memref<800xi32, #tpu.memory_space<hbm>>
      %dma_wait3A_34 = tpu.memref_slice %arg3[%add3A_7] : memref<1600000xi32, #tpu.memory_space<hbm>> -> memref<800xi32, #tpu.memory_space<hbm>>
      tpu.wait_dma2 semaphore(%run_scoped3A : memref<!tpu.dma_semaphore, #tpu.memory_space<semaphore_mem>>) src(%dma_wait3A_34 : memref<800xi32, #tpu.memory_space<hbm>>) dst(%arg7 : memref<800xi32, #tpu.memory_space<vmem>>)
      tpu.yield
    }) : () -> ()
    %scan3A = arith.constant 0 : i32
    %scan3A_8 = arith.constant 0 : i32
    %scan3A_9 = arith.constant 50 : i32
    %scan3A_10 = arith.addi %scan3A_8, %scan3A_9 : i32
    %scan3A_11 = arith.constant 1 : i32
    scf.for %scan3A_31 = %scan3A_8 to %scan3A_10 step %scan3A_11  : i32 {
      %mul3A_32 = arith.constant 16 : i32
      %mul3A_33 = arith.muli %scan3A_31, %mul3A_32 : i32
      %get3A = arith.index_cast %mul3A_33 : i32 to index
      %get3A_34 = tpu.vector_load %arg7[%get3A] {strides = array<i32>} : memref<800xi32, #tpu.memory_space<vmem>>, vector<16xi32>,
      %get3A_35 = vector.shape_cast %get3A_34 : vector<16xi32> to vector<16xi32>
      %add3A_36 = arith.addi %get3A_35, %broadcast_in_dim3A : vector<16xi32>
      %mul3A_37 = arith.constant 16 : i32
      %mul3A_38 = arith.muli %scan3A_31, %mul3A_37 : i32
      %swap3A = arith.index_cast %mul3A_38 : i32 to index
      %swap3A_39 = tpu.vector_load %arg7[%swap3A] {strides = array<i32>} : memref<800xi32, #tpu.memory_space<vmem>>, vector<16xi32>,
      %swap3A_40 = vector.shape_cast %swap3A_39 : vector<16xi32> to vector<16xi32>
      %swap3A_41 = vector.shape_cast %add3A_36 : vector<16xi32> to vector<16xi32>
      tpu.vector_store %arg7[%swap3A], %swap3A_41 {strides = array<i32>} : memref<800xi32, #tpu.memory_space<vmem>>, vector<16xi32>,
    }
    %scan3A_12 = arith.constant 50 : i32
    "tpu.region"() ({
      %run_scoped3A = tpu.sem_alloc : memref<!tpu.dma_semaphore, #tpu.memory_space<semaphore_mem>>
      %dma_start3A_31 = tpu.memref_slice %arg4[%add3A_7] : memref<1600000xi32, #tpu.memory_space<hbm>> -> memref<800xi32, #tpu.memory_space<hbm>>
      %dma_start3A_32 = tpu.memref_slice %arg4[%add3A_7] : memref<1600000xi32, #tpu.memory_space<hbm>> -> memref<800xi32, #tpu.memory_space<hbm>>
      tpu.enqueue_dma source(%dma_start3A_32 : memref<800xi32, #tpu.memory_space<hbm>>) target(%arg9 : memref<800xi32, #tpu.memory_space<vmem>>) target_semaphore(%run_scoped3A : memref<!tpu.dma_semaphore, #tpu.memory_space<semaphore_mem>>)
      %dma_wait3A_33 = tpu.memref_slice %arg4[%add3A_7] : memref<1600000xi32, #tpu.memory_space<hbm>> -> memref<800xi32, #tpu.memory_space<hbm>>
      %dma_wait3A_34 = tpu.memref_slice %arg4[%add3A_7] : memref<1600000xi32, #tpu.memory_space<hbm>> -> memref<800xi32, #tpu.memory_space<hbm>>
      tpu.wait_dma2 semaphore(%run_scoped3A : memref<!tpu.dma_semaphore, #tpu.memory_space<semaphore_mem>>) src(%dma_wait3A_34 : memref<800xi32, #tpu.memory_space<hbm>>) dst(%arg9 : memref<800xi32, #tpu.memory_space<vmem>>)
      tpu.yield
    }) : () -> ()
    %dma_start3A = arith.constant 0 : i32
    %dma_start3A_13 = arith.constant 0 : i32
    %dma_start3A_14 = tpu.memref_slice %arg2[%dma_start3A, %dma_start3A_13] : memref<200000x16xf32, #tpu.memory_space<hbm>> -> memref<200000x16xf32, #tpu.memory_space<hbm>>
    tpu.enqueue_indirect_dma source(%dma_start3A_14 : memref<200000x16xf32, #tpu.memory_space<hbm>>) target(%arg11 : memref<800x16xf32, #tpu.memory_space<vmem>>) offsets(%arg7 : memref<800xi32, #tpu.memory_space<vmem>>) semaphore(%arg13 : memref<!tpu.dma_semaphore, #tpu.memory_space<semaphore_mem>>)
    %scan3A_15 = arith.constant 0 : i32
    %scan3A_16 = arith.constant 0 : i32
    %scan3A_17 = arith.constant 62 : i32
    %scan3A_18 = arith.addi %scan3A_16, %scan3A_17 : i32
    %scan3A_19 = arith.constant 1 : i32
    scf.for %scan3A_31 = %scan3A_16 to %scan3A_18 step %scan3A_19  : i32 {
      %mul3A_32 = arith.constant 2 : i32
      %mul3A_33 = arith.muli %mul3A_32, %scan3A_31 : i32
      %add3A_34 = arith.constant 0 : i32
      %add3A_35 = arith.addi %mul3A_33, %add3A_34 : i32
      %add3A_36 = arith.constant 1 : i32
      %add3A_37 = arith.addi %add3A_35, %add3A_36 : i32
      %mul3A_38 = arith.constant 800 : i32
      %mul3A_39 = arith.muli %add3A_37, %mul3A_38 : i32
      %add3A_40 = arith.addi %mul3A_4, %mul3A_39 : i32
      "tpu.region"() ({
        %run_scoped3A = tpu.sem_alloc : memref<!tpu.dma_semaphore, #tpu.memory_space<semaphore_mem>>
        %dma_start3A_74 = tpu.memref_slice %arg3[%add3A_40] : memref<1600000xi32, #tpu.memory_space<hbm>> -> memref<800xi32, #tpu.memory_space<hbm>>
        %dma_start3A_75 = tpu.memref_slice %arg3[%add3A_40] : memref<1600000xi32, #tpu.memory_space<hbm>> -> memref<800xi32, #tpu.memory_space<hbm>>
        tpu.enqueue_dma source(%dma_start3A_75 : memref<800xi32, #tpu.memory_space<hbm>>) target(%arg8 : memref<800xi32, #tpu.memory_space<vmem>>) target_semaphore(%run_scoped3A : memref<!tpu.dma_semaphore, #tpu.memory_space<semaphore_mem>>)
        %dma_wait3A_76 = tpu.memref_slice %arg3[%add3A_40] : memref<1600000xi32, #tpu.memory_space<hbm>> -> memref<800xi32, #tpu.memory_space<hbm>>
        %dma_wait3A_77 = tpu.memref_slice %arg3[%add3A_40] : memref<1600000xi32, #tpu.memory_space<hbm>> -> memref<800xi32, #tpu.memory_space<hbm>>
        tpu.wait_dma2 semaphore(%run_scoped3A : memref<!tpu.dma_semaphore, #tpu.memory_space<semaphore_mem>>) src(%dma_wait3A_77 : memref<800xi32, #tpu.memory_space<hbm>>) dst(%arg8 : memref<800xi32, #tpu.memory_space<vmem>>)
        tpu.yield
      }) : () -> ()
      %scan3A_41 = arith.constant 0 : i32
      %scan3A_42 = arith.constant 0 : i32
      %scan3A_43 = arith.constant 50 : i32
      %scan3A_44 = arith.addi %scan3A_42, %scan3A_43 : i32
      %scan3A_45 = arith.constant 1 : i32
      scf.for %scan3A_74 = %scan3A_42 to %scan3A_44 step %scan3A_45  : i32 {
        %mul3A_75 = arith.constant 16 : i32
        %mul3A_76 = arith.muli %scan3A_74, %mul3A_75 : i32
        %get3A = arith.index_cast %mul3A_76 : i32 to index
        %get3A_77 = tpu.vector_load %arg8[%get3A] {strides = array<i32>} : memref<800xi32, #tpu.memory_space<vmem>>, vector<16xi32>,
        %get3A_78 = vector.shape_cast %get3A_77 : vector<16xi32> to vector<16xi32>
        %add3A_79 = arith.addi %get3A_78, %broadcast_in_dim3A : vector<16xi32>
        %mul3A_80 = arith.constant 16 : i32
        %mul3A_81 = arith.muli %scan3A_74, %mul3A_80 : i32
        %swap3A = arith.index_cast %mul3A_81 : i32 to index
        %swap3A_82 = tpu.vector_load %arg8[%swap3A] {strides = array<i32>} : memref<800xi32, #tpu.memory_space<vmem>>, vector<16xi32>,
        %swap3A_83 = vector.shape_cast %swap3A_82 : vector<16xi32> to vector<16xi32>
        %swap3A_84 = vector.shape_cast %add3A_79 : vector<16xi32> to vector<16xi32>
        tpu.vector_store %arg8[%swap3A], %swap3A_84 {strides = array<i32>} : memref<800xi32, #tpu.memory_space<vmem>>, vector<16xi32>,
      }
      %scan3A_46 = arith.constant 50 : i32
      "tpu.region"() ({
        %run_scoped3A = tpu.sem_alloc : memref<!tpu.dma_semaphore, #tpu.memory_space<semaphore_mem>>
        %dma_start3A_74 = tpu.memref_slice %arg4[%add3A_40] : memref<1600000xi32, #tpu.memory_space<hbm>> -> memref<800xi32, #tpu.memory_space<hbm>>
        %dma_start3A_75 = tpu.memref_slice %arg4[%add3A_40] : memref<1600000xi32, #tpu.memory_space<hbm>> -> memref<800xi32, #tpu.memory_space<hbm>>
        tpu.enqueue_dma source(%dma_start3A_75 : memref<800xi32, #tpu.memory_space<hbm>>) target(%arg10 : memref<800xi32, #tpu.memory_space<vmem>>) target_semaphore(%run_scoped3A : memref<!tpu.dma_semaphore, #tpu.memory_space<semaphore_mem>>)
        %dma_wait3A_76 = tpu.memref_slice %arg4[%add3A_40] : memref<1600000xi32, #tpu.memory_space<hbm>> -> memref<800xi32, #tpu.memory_space<hbm>>
        %dma_wait3A_77 = tpu.memref_slice %arg4[%add3A_40] : memref<1600000xi32, #tpu.memory_space<hbm>> -> memref<800xi32, #tpu.memory_space<hbm>>
        tpu.wait_dma2 semaphore(%run_scoped3A : memref<!tpu.dma_semaphore, #tpu.memory_space<semaphore_mem>>) src(%dma_wait3A_77 : memref<800xi32, #tpu.memory_space<hbm>>) dst(%arg10 : memref<800xi32, #tpu.memory_space<vmem>>)
        tpu.yield
      }) : () -> ()
      %dma_start3A_47 = arith.constant 0 : i32
      %dma_start3A_48 = arith.constant 0 : i32
      %dma_start3A_49 = tpu.memref_slice %arg2[%dma_start3A_47, %dma_start3A_48] : memref<200000x16xf32, #tpu.memory_space<hbm>> -> memref<200000x16xf32, #tpu.memory_space<hbm>>
      tpu.enqueue_indirect_dma source(%dma_start3A_49 : memref<200000x16xf32, #tpu.memory_space<hbm>>) target(%arg12 : memref<800x16xf32, #tpu.memory_space<vmem>>) offsets(%arg8 : memref<800xi32, #tpu.memory_space<vmem>>) semaphore(%arg14 : memref<!tpu.dma_semaphore, #tpu.memory_space<semaphore_mem>>)
      %dma_wait3A_50 = arith.constant 0 : i32
      %dma_wait3A_51 = arith.constant 0 : i32
      %dma_wait3A_52 = tpu.memref_slice %arg2[%dma_wait3A_50, %dma_wait3A_51] : memref<200000x16xf32, #tpu.memory_space<hbm>> -> memref<200000x16xf32, #tpu.memory_space<hbm>>
      tpu.wait_indirect_dma semaphore(%arg13 : memref<!tpu.dma_semaphore, #tpu.memory_space<semaphore_mem>>) src(%dma_wait3A_52 : memref<200000x16xf32, #tpu.memory_space<hbm>>) dst(%arg11 : memref<800x16xf32, #tpu.memory_space<vmem>>)
      "tpu.region"() ({
        %run_scoped3A = tpu.sem_alloc : memref<!tpu.dma_semaphore, #tpu.memory_space<semaphore_mem>>
        %dma_start3A_74 = arith.constant 0 : i32
        %dma_start3A_75 = arith.constant 0 : i32
        %dma_start3A_76 = tpu.memref_slice %arg15[%dma_start3A_74, %dma_start3A_75] : memref<100000x16xf32, #tpu.memory_space<vmem_shared>> -> memref<100000x16xf32, #tpu.memory_space<vmem_shared>>
        tpu.enqueue_indirect_dma source(%arg11 : memref<800x16xf32, #tpu.memory_space<vmem>>) target(%dma_start3A_76 : memref<100000x16xf32, #tpu.memory_space<vmem_shared>>) offsets(%arg9 : memref<800xi32, #tpu.memory_space<vmem>>) semaphore(%run_scoped3A : memref<!tpu.dma_semaphore, #tpu.memory_space<semaphore_mem>>) {add = true}
        %dma_wait3A_77 = arith.constant 0 : i32
        %dma_wait3A_78 = arith.constant 0 : i32
        %dma_wait3A_79 = tpu.memref_slice %arg15[%dma_wait3A_77, %dma_wait3A_78] : memref<100000x16xf32, #tpu.memory_space<vmem_shared>> -> memref<100000x16xf32, #tpu.memory_space<vmem_shared>>
        tpu.wait_indirect_dma semaphore(%run_scoped3A : memref<!tpu.dma_semaphore, #tpu.memory_space<semaphore_mem>>) src(%arg11 : memref<800x16xf32, #tpu.memory_space<vmem>>) dst(%dma_wait3A_79 : memref<100000x16xf32, #tpu.memory_space<vmem_shared>>)
        tpu.yield
      }) : () -> ()
      %mul3A_53 = arith.constant 2 : i32
      %mul3A_54 = arith.muli %mul3A_53, %scan3A_31 : i32
      %add3A_55 = arith.constant 1 : i32
      %add3A_56 = arith.addi %mul3A_54, %add3A_55 : i32
      %add3A_57 = arith.constant 1 : i32
      %add3A_58 = arith.addi %add3A_56, %add3A_57 : i32
      %mul3A_59 = arith.constant 800 : i32
      %mul3A_60 = arith.muli %add3A_58, %mul3A_59 : i32
      %add3A_61 = arith.addi %mul3A_4, %mul3A_60 : i32
      "tpu.region"() ({
        %run_scoped3A = tpu.sem_alloc : memref<!tpu.dma_semaphore, #tpu.memory_space<semaphore_mem>>
        %dma_start3A_74 = tpu.memref_slice %arg3[%add3A_61] : memref<1600000xi32, #tpu.memory_space<hbm>> -> memref<800xi32, #tpu.memory_space<hbm>>
        %dma_start3A_75 = tpu.memref_slice %arg3[%add3A_61] : memref<1600000xi32, #tpu.memory_space<hbm>> -> memref<800xi32, #tpu.memory_space<hbm>>
        tpu.enqueue_dma source(%dma_start3A_75 : memref<800xi32, #tpu.memory_space<hbm>>) target(%arg7 : memref<800xi32, #tpu.memory_space<vmem>>) target_semaphore(%run_scoped3A : memref<!tpu.dma_semaphore, #tpu.memory_space<semaphore_mem>>)
        %dma_wait3A_76 = tpu.memref_slice %arg3[%add3A_61] : memref<1600000xi32, #tpu.memory_space<hbm>> -> memref<800xi32, #tpu.memory_space<hbm>>
        %dma_wait3A_77 = tpu.memref_slice %arg3[%add3A_61] : memref<1600000xi32, #tpu.memory_space<hbm>> -> memref<800xi32, #tpu.memory_space<hbm>>
        tpu.wait_dma2 semaphore(%run_scoped3A : memref<!tpu.dma_semaphore, #tpu.memory_space<semaphore_mem>>) src(%dma_wait3A_77 : memref<800xi32, #tpu.memory_space<hbm>>) dst(%arg7 : memref<800xi32, #tpu.memory_space<vmem>>)
        tpu.yield
      }) : () -> ()
      %scan3A_62 = arith.constant 0 : i32
      %scan3A_63 = arith.constant 0 : i32
      %scan3A_64 = arith.constant 50 : i32
      %scan3A_65 = arith.addi %scan3A_63, %scan3A_64 : i32
      %scan3A_66 = arith.constant 1 : i32
      scf.for %scan3A_74 = %scan3A_63 to %scan3A_65 step %scan3A_66  : i32 {
        %mul3A_75 = arith.constant 16 : i32
        %mul3A_76 = arith.muli %scan3A_74, %mul3A_75 : i32
        %get3A = arith.index_cast %mul3A_76 : i32 to index
        %get3A_77 = tpu.vector_load %arg7[%get3A] {strides = array<i32>} : memref<800xi32, #tpu.memory_space<vmem>>, vector<16xi32>,
        %get3A_78 = vector.shape_cast %get3A_77 : vector<16xi32> to vector<16xi32>
        %add3A_79 = arith.addi %get3A_78, %broadcast_in_dim3A : vector<16xi32>
        %mul3A_80 = arith.constant 16 : i32
        %mul3A_81 = arith.muli %scan3A_74, %mul3A_80 : i32
        %swap3A = arith.index_cast %mul3A_81 : i32 to index
        %swap3A_82 = tpu.vector_load %arg7[%swap3A] {strides = array<i32>} : memref<800xi32, #tpu.memory_space<vmem>>, vector<16xi32>,
        %swap3A_83 = vector.shape_cast %swap3A_82 : vector<16xi32> to vector<16xi32>
        %swap3A_84 = vector.shape_cast %add3A_79 : vector<16xi32> to vector<16xi32>
        tpu.vector_store %arg7[%swap3A], %swap3A_84 {strides = array<i32>} : memref<800xi32, #tpu.memory_space<vmem>>, vector<16xi32>,
      }
      %scan3A_67 = arith.constant 50 : i32
      "tpu.region"() ({
        %run_scoped3A = tpu.sem_alloc : memref<!tpu.dma_semaphore, #tpu.memory_space<semaphore_mem>>
        %dma_start3A_74 = tpu.memref_slice %arg4[%add3A_61] : memref<1600000xi32, #tpu.memory_space<hbm>> -> memref<800xi32, #tpu.memory_space<hbm>>
        %dma_start3A_75 = tpu.memref_slice %arg4[%add3A_61] : memref<1600000xi32, #tpu.memory_space<hbm>> -> memref<800xi32, #tpu.memory_space<hbm>>
        tpu.enqueue_dma source(%dma_start3A_75 : memref<800xi32, #tpu.memory_space<hbm>>) target(%arg9 : memref<800xi32, #tpu.memory_space<vmem>>) target_semaphore(%run_scoped3A : memref<!tpu.dma_semaphore, #tpu.memory_space<semaphore_mem>>)
        %dma_wait3A_76 = tpu.memref_slice %arg4[%add3A_61] : memref<1600000xi32, #tpu.memory_space<hbm>> -> memref<800xi32, #tpu.memory_space<hbm>>
        %dma_wait3A_77 = tpu.memref_slice %arg4[%add3A_61] : memref<1600000xi32, #tpu.memory_space<hbm>> -> memref<800xi32, #tpu.memory_space<hbm>>
        tpu.wait_dma2 semaphore(%run_scoped3A : memref<!tpu.dma_semaphore, #tpu.memory_space<semaphore_mem>>) src(%dma_wait3A_77 : memref<800xi32, #tpu.memory_space<hbm>>) dst(%arg9 : memref<800xi32, #tpu.memory_space<vmem>>)
        tpu.yield
      }) : () -> ()
      %dma_start3A_68 = arith.constant 0 : i32
      %dma_start3A_69 = arith.constant 0 : i32
      %dma_start3A_70 = tpu.memref_slice %arg2[%dma_start3A_68, %dma_start3A_69] : memref<200000x16xf32, #tpu.memory_space<hbm>> -> memref<200000x16xf32, #tpu.memory_space<hbm>>
      tpu.enqueue_indirect_dma source(%dma_start3A_70 : memref<200000x16xf32, #tpu.memory_space<hbm>>) target(%arg11 : memref<800x16xf32, #tpu.memory_space<vmem>>) offsets(%arg7 : memref<800xi32, #tpu.memory_space<vmem>>) semaphore(%arg13 : memref<!tpu.dma_semaphore, #tpu.memory_space<semaphore_mem>>)
      %dma_wait3A_71 = arith.constant 0 : i32
      %dma_wait3A_72 = arith.constant 0 : i32
      %dma_wait3A_73 = tpu.memref_slice %arg2[%dma_wait3A_71, %dma_wait3A_72] : memref<200000x16xf32, #tpu.memory_space<hbm>> -> memref<200000x16xf32, #tpu.memory_space<hbm>>
      tpu.wait_indirect_dma semaphore(%arg14 : memref<!tpu.dma_semaphore, #tpu.memory_space<semaphore_mem>>) src(%dma_wait3A_73 : memref<200000x16xf32, #tpu.memory_space<hbm>>) dst(%arg12 : memref<800x16xf32, #tpu.memory_space<vmem>>)
      "tpu.region"() ({
        %run_scoped3A = tpu.sem_alloc : memref<!tpu.dma_semaphore, #tpu.memory_space<semaphore_mem>>
        %dma_start3A_74 = arith.constant 0 : i32
        %dma_start3A_75 = arith.constant 0 : i32
        %dma_start3A_76 = tpu.memref_slice %arg15[%dma_start3A_74, %dma_start3A_75] : memref<100000x16xf32, #tpu.memory_space<vmem_shared>> -> memref<100000x16xf32, #tpu.memory_space<vmem_shared>>
        tpu.enqueue_indirect_dma source(%arg12 : memref<800x16xf32, #tpu.memory_space<vmem>>) target(%dma_start3A_76 : memref<100000x16xf32, #tpu.memory_space<vmem_shared>>) offsets(%arg10 : memref<800xi32, #tpu.memory_space<vmem>>) semaphore(%run_scoped3A : memref<!tpu.dma_semaphore, #tpu.memory_space<semaphore_mem>>) {add = true}
        %dma_wait3A_77 = arith.constant 0 : i32
        %dma_wait3A_78 = arith.constant 0 : i32
        %dma_wait3A_79 = tpu.memref_slice %arg15[%dma_wait3A_77, %dma_wait3A_78] : memref<100000x16xf32, #tpu.memory_space<vmem_shared>> -> memref<100000x16xf32, #tpu.memory_space<vmem_shared>>
        tpu.wait_indirect_dma semaphore(%run_scoped3A : memref<!tpu.dma_semaphore, #tpu.memory_space<semaphore_mem>>) src(%arg12 : memref<800x16xf32, #tpu.memory_space<vmem>>) dst(%dma_wait3A_79 : memref<100000x16xf32, #tpu.memory_space<vmem_shared>>)
        tpu.yield
      }) : () -> ()
    }
    %scan3A_20 = arith.constant 62 : i32
    %dma_wait3A = arith.constant 0 : i32
    %dma_wait3A_21 = arith.constant 0 : i32
    %dma_wait3A_22 = tpu.memref_slice %arg2[%dma_wait3A, %dma_wait3A_21] : memref<200000x16xf32, #tpu.memory_space<hbm>> -> memref<200000x16xf32, #tpu.memory_space<hbm>>
    tpu.wait_indirect_dma semaphore(%arg13 : memref<!tpu.dma_semaphore, #tpu.memory_space<semaphore_mem>>) src(%dma_wait3A_22 : memref<200000x16xf32, #tpu.memory_space<hbm>>) dst(%arg11 : memref<800x16xf32, #tpu.memory_space<vmem>>)
    "tpu.region"() ({
      %run_scoped3A = tpu.sem_alloc : memref<!tpu.dma_semaphore, #tpu.memory_space<semaphore_mem>>
      %dma_start3A_31 = arith.constant 0 : i32
      %dma_start3A_32 = arith.constant 0 : i32
      %dma_start3A_33 = tpu.memref_slice %arg15[%dma_start3A_31, %dma_start3A_32] : memref<100000x16xf32, #tpu.memory_space<vmem_shared>> -> memref<100000x16xf32, #tpu.memory_space<vmem_shared>>
      tpu.enqueue_indirect_dma source(%arg11 : memref<800x16xf32, #tpu.memory_space<vmem>>) target(%dma_start3A_33 : memref<100000x16xf32, #tpu.memory_space<vmem_shared>>) offsets(%arg9 : memref<800xi32, #tpu.memory_space<vmem>>) semaphore(%run_scoped3A : memref<!tpu.dma_semaphore, #tpu.memory_space<semaphore_mem>>) {add = true}
      %dma_wait3A_34 = arith.constant 0 : i32
      %dma_wait3A_35 = arith.constant 0 : i32
      %dma_wait3A_36 = tpu.memref_slice %arg15[%dma_wait3A_34, %dma_wait3A_35] : memref<100000x16xf32, #tpu.memory_space<vmem_shared>> -> memref<100000x16xf32, #tpu.memory_space<vmem_shared>>
      tpu.wait_indirect_dma semaphore(%run_scoped3A : memref<!tpu.dma_semaphore, #tpu.memory_space<semaphore_mem>>) src(%arg11 : memref<800x16xf32, #tpu.memory_space<vmem>>) dst(%dma_wait3A_36 : memref<100000x16xf32, #tpu.memory_space<vmem_shared>>)
      tpu.yield
    }) : () -> ()
    %barrier3A_23 = arith.constant 0 : index
    tpu.barrier barrier_id(%barrier3A_23)
    %mul3A_24 = arith.constant 6250 : i32
    %mul3A_25 = arith.muli %arg1, %mul3A_24 : i32
    %mul3A_26 = arith.constant 100000 : i32
    %mul3A_27 = arith.muli %arg0, %mul3A_26 : i32
    %mul3A_28 = arith.constant 6250 : i32
    %mul3A_29 = arith.muli %arg1, %mul3A_28 : i32
    %add3A_30 = arith.addi %mul3A_27, %mul3A_29 : i32
    "tpu.region"() ({
      %run_scoped3A = tpu.sem_alloc : memref<!tpu.dma_semaphore, #tpu.memory_space<semaphore_mem>>
      %dma_start3A_31 = arith.constant 0 : i32
      %dma_start3A_32 = tpu.memref_slice %arg6[%add3A_30, %dma_start3A_31] : memref<200000x16xf32, #tpu.memory_space<hbm>> -> memref<6250x16xf32, #tpu.memory_space<hbm>>
      %dma_start3A_33 = arith.constant 0 : i32
      %dma_start3A_34 = tpu.memref_slice %arg15[%mul3A_25, %dma_start3A_33] : memref<100000x16xf32, #tpu.memory_space<vmem_shared>> -> memref<6250x16xf32, #tpu.memory_space<vmem_shared>>
      tpu.enqueue_dma source(%dma_start3A_34 : memref<6250x16xf32, #tpu.memory_space<vmem_shared>>) target(%dma_start3A_32 : memref<6250x16xf32, #tpu.memory_space<hbm>>) target_semaphore(%run_scoped3A : memref<!tpu.dma_semaphore, #tpu.memory_space<semaphore_mem>>)
      %dma_wait3A_35 = arith.constant 0 : i32
      %dma_wait3A_36 = tpu.memref_slice %arg6[%add3A_30, %dma_wait3A_35] : memref<200000x16xf32, #tpu.memory_space<hbm>> -> memref<6250x16xf32, #tpu.memory_space<hbm>>
      %dma_wait3A_37 = arith.constant 0 : i32
      %dma_wait3A_38 = tpu.memref_slice %arg15[%mul3A_25, %dma_wait3A_37] : memref<100000x16xf32, #tpu.memory_space<vmem_shared>> -> memref<6250x16xf32, #tpu.memory_space<vmem_shared>>
      tpu.wait_dma2 semaphore(%run_scoped3A : memref<!tpu.dma_semaphore, #tpu.memory_space<semaphore_mem>>) src(%dma_wait3A_38 : memref<6250x16xf32, #tpu.memory_space<vmem_shared>>) dst(%dma_wait3A_36 : memref<6250x16xf32, #tpu.memory_space<hbm>>)
      tpu.yield
    }) : () -> ()
    return
  }
}

#map = affine_map<(d0, d1) -> (0, 0)>
#map1 = affine_map<(d0, d1) -> (0)>
module attributes {stable_mosaic.version = 14 : i64} {
  func.func @k(%arg0: i32, %arg1: i32, %arg2: memref<100008x8xf32, #tpu.memory_space<hbm>>, %arg3: memref<1601536xi32, #tpu.memory_space<hbm>>, %arg4: memref<1601536xi32, #tpu.memory_space<hbm>>, %arg5: memref<100000x8xf32, #tpu.memory_space<hbm>>, %arg6: memref<200000x8xf32, #tpu.memory_space<hbm>>, %arg7: memref<6256xi32, #tpu.memory_space<vmem>>, %arg8: memref<6256xi32, #tpu.memory_space<vmem>>, %arg9: memref<6256x8xf32, #tpu.memory_space<vmem>>, %arg10: memref<100008x8xf32, #tpu.memory_space<vmem_shared>>, %arg11: memref<!tpu.dma_semaphore, #tpu.memory_space<semaphore_mem>>) attributes {dimension_semantics = [#tpu.dimension_semantics<core_parallel>, #tpu.dimension_semantics<subcore_parallel>], iteration_bounds = array<i64: 2, 16>, scalar_prefetch = 0 : i64, scratch_operands = 5 : i64, tpu.core_type = #tpu.core_type<sc_vector_subcore>, window_params = [{transform_indices = #map}, {transform_indices = #map1}, {transform_indices = #map1}, {transform_indices = #map}, {transform_indices = #map}]} {
    %mul3A = arith.constant 2 : i32
    %mul3A_0 = arith.muli %arg1, %mul3A : i32
    %add3A = arith.addi %mul3A_0, %arg0 : i32
    %mul3A_1 = arith.constant 6250 : i32
    %mul3A_2 = arith.muli %arg1, %mul3A_1 : i32
    %mul3A_3 = arith.constant 6250 : i32
    %mul3A_4 = arith.muli %arg1, %mul3A_3 : i32
    "tpu.region"() ({
      %run_scoped3A = tpu.sem_alloc : memref<!tpu.dma_semaphore, #tpu.memory_space<semaphore_mem>>
      %dma_start3A = arith.constant 0 : i32
      %dma_start3A_20 = tpu.memref_slice %arg10[%mul3A_4, %dma_start3A] : memref<100008x8xf32, #tpu.memory_space<vmem_shared>> -> memref<6250x8xf32, #tpu.memory_space<vmem_shared>>
      %dma_start3A_21 = arith.constant 0 : i32
      %dma_start3A_22 = tpu.memref_slice %arg5[%mul3A_2, %dma_start3A_21] : memref<100000x8xf32, #tpu.memory_space<hbm>> -> memref<6250x8xf32, #tpu.memory_space<hbm>>
      tpu.enqueue_dma source(%dma_start3A_22 : memref<6250x8xf32, #tpu.memory_space<hbm>>) target(%dma_start3A_20 : memref<6250x8xf32, #tpu.memory_space<vmem_shared>>) target_semaphore(%run_scoped3A : memref<!tpu.dma_semaphore, #tpu.memory_space<semaphore_mem>>)
      %dma_wait3A = arith.constant 0 : i32
      %dma_wait3A_23 = tpu.memref_slice %arg10[%mul3A_4, %dma_wait3A] : memref<100008x8xf32, #tpu.memory_space<vmem_shared>> -> memref<6250x8xf32, #tpu.memory_space<vmem_shared>>
      %dma_wait3A_24 = arith.constant 0 : i32
      %dma_wait3A_25 = tpu.memref_slice %arg5[%mul3A_2, %dma_wait3A_24] : memref<100000x8xf32, #tpu.memory_space<hbm>> -> memref<6250x8xf32, #tpu.memory_space<hbm>>
      tpu.wait_dma2 semaphore(%run_scoped3A : memref<!tpu.dma_semaphore, #tpu.memory_space<semaphore_mem>>) src(%dma_wait3A_25 : memref<6250x8xf32, #tpu.memory_space<hbm>>) dst(%dma_wait3A_23 : memref<6250x8xf32, #tpu.memory_space<vmem_shared>>)
      tpu.yield
    }) : () -> ()
    %barrier3A = arith.constant 0 : index
    tpu.barrier barrier_id(%barrier3A)
    %mul3A_5 = arith.constant 50048 : i32
    %mul3A_6 = arith.muli %add3A, %mul3A_5 : i32
    %scan3A = arith.constant 0 : i32
    %scan3A_7 = arith.constant 0 : i32
    %scan3A_8 = arith.constant 8 : i32
    %scan3A_9 = arith.addi %scan3A_7, %scan3A_8 : i32
    %scan3A_10 = arith.constant 1 : i32
    scf.for %scan3A_20 = %scan3A_7 to %scan3A_9 step %scan3A_10  : i32 {
      %mul3A_21 = arith.constant 6256 : i32
      %mul3A_22 = arith.muli %scan3A_20, %mul3A_21 : i32
      %add3A_23 = arith.addi %mul3A_6, %mul3A_22 : i32
      "tpu.region"() ({
        %run_scoped3A = tpu.sem_alloc : memref<!tpu.dma_semaphore, #tpu.memory_space<semaphore_mem>>
        %dma_start3A_28 = tpu.memref_slice %arg3[%add3A_23] : memref<1601536xi32, #tpu.memory_space<hbm>> -> memref<6256xi32, #tpu.memory_space<hbm>>
        %dma_start3A_29 = tpu.memref_slice %arg3[%add3A_23] : memref<1601536xi32, #tpu.memory_space<hbm>> -> memref<6256xi32, #tpu.memory_space<hbm>>
        tpu.enqueue_dma source(%dma_start3A_29 : memref<6256xi32, #tpu.memory_space<hbm>>) target(%arg7 : memref<6256xi32, #tpu.memory_space<vmem>>) target_semaphore(%run_scoped3A : memref<!tpu.dma_semaphore, #tpu.memory_space<semaphore_mem>>)
        %dma_wait3A_30 = tpu.memref_slice %arg3[%add3A_23] : memref<1601536xi32, #tpu.memory_space<hbm>> -> memref<6256xi32, #tpu.memory_space<hbm>>
        %dma_wait3A_31 = tpu.memref_slice %arg3[%add3A_23] : memref<1601536xi32, #tpu.memory_space<hbm>> -> memref<6256xi32, #tpu.memory_space<hbm>>
        tpu.wait_dma2 semaphore(%run_scoped3A : memref<!tpu.dma_semaphore, #tpu.memory_space<semaphore_mem>>) src(%dma_wait3A_31 : memref<6256xi32, #tpu.memory_space<hbm>>) dst(%arg7 : memref<6256xi32, #tpu.memory_space<vmem>>)
        tpu.yield
      }) : () -> ()
      %dma_start3A = arith.constant 0 : i32
      %dma_start3A_24 = arith.constant 0 : i32
      %dma_start3A_25 = tpu.memref_slice %arg2[%dma_start3A, %dma_start3A_24] : memref<100008x8xf32, #tpu.memory_space<hbm>> -> memref<100008x8xf32, #tpu.memory_space<hbm>>
      tpu.enqueue_indirect_dma source(%dma_start3A_25 : memref<100008x8xf32, #tpu.memory_space<hbm>>) target(%arg9 : memref<6256x8xf32, #tpu.memory_space<vmem>>) offsets(%arg7 : memref<6256xi32, #tpu.memory_space<vmem>>) semaphore(%arg11 : memref<!tpu.dma_semaphore, #tpu.memory_space<semaphore_mem>>)
      %dma_wait3A = arith.constant 0 : i32
      %dma_wait3A_26 = arith.constant 0 : i32
      %dma_wait3A_27 = tpu.memref_slice %arg2[%dma_wait3A, %dma_wait3A_26] : memref<100008x8xf32, #tpu.memory_space<hbm>> -> memref<100008x8xf32, #tpu.memory_space<hbm>>
      tpu.wait_indirect_dma semaphore(%arg11 : memref<!tpu.dma_semaphore, #tpu.memory_space<semaphore_mem>>) src(%dma_wait3A_27 : memref<100008x8xf32, #tpu.memory_space<hbm>>) dst(%arg9 : memref<6256x8xf32, #tpu.memory_space<vmem>>)
      "tpu.region"() ({
        %run_scoped3A = tpu.sem_alloc : memref<!tpu.dma_semaphore, #tpu.memory_space<semaphore_mem>>
        %dma_start3A_28 = tpu.memref_slice %arg4[%add3A_23] : memref<1601536xi32, #tpu.memory_space<hbm>> -> memref<6256xi32, #tpu.memory_space<hbm>>
        %dma_start3A_29 = tpu.memref_slice %arg4[%add3A_23] : memref<1601536xi32, #tpu.memory_space<hbm>> -> memref<6256xi32, #tpu.memory_space<hbm>>
        tpu.enqueue_dma source(%dma_start3A_29 : memref<6256xi32, #tpu.memory_space<hbm>>) target(%arg8 : memref<6256xi32, #tpu.memory_space<vmem>>) target_semaphore(%run_scoped3A : memref<!tpu.dma_semaphore, #tpu.memory_space<semaphore_mem>>)
        %dma_wait3A_30 = tpu.memref_slice %arg4[%add3A_23] : memref<1601536xi32, #tpu.memory_space<hbm>> -> memref<6256xi32, #tpu.memory_space<hbm>>
        %dma_wait3A_31 = tpu.memref_slice %arg4[%add3A_23] : memref<1601536xi32, #tpu.memory_space<hbm>> -> memref<6256xi32, #tpu.memory_space<hbm>>
        tpu.wait_dma2 semaphore(%run_scoped3A : memref<!tpu.dma_semaphore, #tpu.memory_space<semaphore_mem>>) src(%dma_wait3A_31 : memref<6256xi32, #tpu.memory_space<hbm>>) dst(%arg8 : memref<6256xi32, #tpu.memory_space<vmem>>)
        tpu.yield
      }) : () -> ()
      "tpu.region"() ({
        %run_scoped3A = tpu.sem_alloc : memref<!tpu.dma_semaphore, #tpu.memory_space<semaphore_mem>>
        %dma_start3A_28 = arith.constant 0 : i32
        %dma_start3A_29 = arith.constant 0 : i32
        %dma_start3A_30 = tpu.memref_slice %arg10[%dma_start3A_28, %dma_start3A_29] : memref<100008x8xf32, #tpu.memory_space<vmem_shared>> -> memref<100008x8xf32, #tpu.memory_space<vmem_shared>>
        tpu.enqueue_indirect_dma source(%arg9 : memref<6256x8xf32, #tpu.memory_space<vmem>>) target(%dma_start3A_30 : memref<100008x8xf32, #tpu.memory_space<vmem_shared>>) offsets(%arg8 : memref<6256xi32, #tpu.memory_space<vmem>>) semaphore(%run_scoped3A : memref<!tpu.dma_semaphore, #tpu.memory_space<semaphore_mem>>) {add = true}
        %dma_wait3A_31 = arith.constant 0 : i32
        %dma_wait3A_32 = arith.constant 0 : i32
        %dma_wait3A_33 = tpu.memref_slice %arg10[%dma_wait3A_31, %dma_wait3A_32] : memref<100008x8xf32, #tpu.memory_space<vmem_shared>> -> memref<100008x8xf32, #tpu.memory_space<vmem_shared>>
        tpu.wait_indirect_dma semaphore(%run_scoped3A : memref<!tpu.dma_semaphore, #tpu.memory_space<semaphore_mem>>) src(%arg9 : memref<6256x8xf32, #tpu.memory_space<vmem>>) dst(%dma_wait3A_33 : memref<100008x8xf32, #tpu.memory_space<vmem_shared>>)
        tpu.yield
      }) : () -> ()
    }
    %scan3A_11 = arith.constant 8 : i32
    %barrier3A_12 = arith.constant 0 : index
    tpu.barrier barrier_id(%barrier3A_12)
    %mul3A_13 = arith.constant 6250 : i32
    %mul3A_14 = arith.muli %arg1, %mul3A_13 : i32
    %mul3A_15 = arith.constant 100000 : i32
    %mul3A_16 = arith.muli %arg0, %mul3A_15 : i32
    %mul3A_17 = arith.constant 6250 : i32
    %mul3A_18 = arith.muli %arg1, %mul3A_17 : i32
    %add3A_19 = arith.addi %mul3A_16, %mul3A_18 : i32
    "tpu.region"() ({
      %run_scoped3A = tpu.sem_alloc : memref<!tpu.dma_semaphore, #tpu.memory_space<semaphore_mem>>
      %dma_start3A = arith.constant 0 : i32
      %dma_start3A_20 = tpu.memref_slice %arg6[%add3A_19, %dma_start3A] : memref<200000x8xf32, #tpu.memory_space<hbm>> -> memref<6250x8xf32, #tpu.memory_space<hbm>>
      %dma_start3A_21 = arith.constant 0 : i32
      %dma_start3A_22 = tpu.memref_slice %arg10[%mul3A_14, %dma_start3A_21] : memref<100008x8xf32, #tpu.memory_space<vmem_shared>> -> memref<6250x8xf32, #tpu.memory_space<vmem_shared>>
      tpu.enqueue_dma source(%dma_start3A_22 : memref<6250x8xf32, #tpu.memory_space<vmem_shared>>) target(%dma_start3A_20 : memref<6250x8xf32, #tpu.memory_space<hbm>>) target_semaphore(%run_scoped3A : memref<!tpu.dma_semaphore, #tpu.memory_space<semaphore_mem>>)
      %dma_wait3A = arith.constant 0 : i32
      %dma_wait3A_23 = tpu.memref_slice %arg6[%add3A_19, %dma_wait3A] : memref<200000x8xf32, #tpu.memory_space<hbm>> -> memref<6250x8xf32, #tpu.memory_space<hbm>>
      %dma_wait3A_24 = arith.constant 0 : i32
      %dma_wait3A_25 = tpu.memref_slice %arg10[%mul3A_14, %dma_wait3A_24] : memref<100008x8xf32, #tpu.memory_space<vmem_shared>> -> memref<6250x8xf32, #tpu.memory_space<vmem_shared>>
      tpu.wait_dma2 semaphore(%run_scoped3A : memref<!tpu.dma_semaphore, #tpu.memory_space<semaphore_mem>>) src(%dma_wait3A_25 : memref<6250x8xf32, #tpu.memory_space<vmem_shared>>) dst(%dma_wait3A_23 : memref<6250x8xf32, #tpu.memory_space<hbm>>)
      tpu.yield
    }) : () -> ()
    return
  }
}

module attributes {stable_mosaic.version = 14 : i64} {
  func.func @body(%arg0: i32, %arg1: i32, %arg2: memref<4000x8xf32, #tpu.memory_space<vmem>>, %arg3: memref<4000x8xf32, #tpu.memory_space<vmem>>, %arg4: memref<4000x3xf32, #tpu.memory_space<vmem>>, %arg5: memref<2x32xf32, #tpu.memory_space<vmem>>, %arg6: memref<1x32xf32, #tpu.memory_space<vmem>>, %arg7: memref<2x32xf32, #tpu.memory_space<vmem>>, %arg8: memref<1x32x16xf32, #tpu.memory_space<vmem>>, %arg9: memref<4000x16xf32, #tpu.memory_space<vmem>>) attributes {dimension_semantics = [#tpu.dimension_semantics<arbitrary>, #tpu.dimension_semantics<arbitrary>], iteration_bounds = array<i64: 2, 25>, scalar_prefetch = 0 : i64, scratch_operands = 0 : i64, tpu.core_type = #tpu.core_type<tc>, window_params = [{transform_indices = @transform_0, window_bounds = array<i64: 4000, 8>}, {transform_indices = @transform_1, window_bounds = array<i64: 4000, 8>}, {transform_indices = @transform_2, window_bounds = array<i64: 4000, 3>}, {pipeline_mode = #tpu.pipeline_mode<synchronous>, transform_indices = @transform_3, window_bounds = array<i64: 2, 32>}, {pipeline_mode = #tpu.pipeline_mode<synchronous>, transform_indices = @transform_4, window_bounds = array<i64: 1, 32>}, {pipeline_mode = #tpu.pipeline_mode<synchronous>, transform_indices = @transform_5, window_bounds = array<i64: 2, 32>}, {transform_indices = @transform_6, window_bounds = array<i64: 1, 32, 16>}, {transform_indices = @transform_7, window_bounds = array<i64: 4000, 16>}]} {
    %get3A = arith.constant 0 : index
    %get3A_0 = arith.constant 0 : index
    %get3A_1 = vector.load %arg2[%get3A, %get3A_0] : memref<4000x8xf32, #tpu.memory_space<vmem>>, vector<4000x2xf32>
    %get3A_2 = arith.constant 0 : index
    %get3A_3 = arith.constant 0 : index
    %get3A_4 = vector.load %arg3[%get3A_2, %get3A_3] : memref<4000x8xf32, #tpu.memory_space<vmem>>, vector<4000x2xf32>
    %add3A = arith.addf %get3A_1, %get3A_4 : vector<4000x2xf32>
    %get3A_5 = arith.constant 0 : index
    %get3A_6 = arith.constant 0 : index
    %get3A_7 = vector.load %arg4[%get3A_5, %get3A_6] : memref<4000x3xf32, #tpu.memory_space<vmem>>, vector<4000x2xf32>
    %slice3A = vector.extract_strided_slice %add3A {offsets = [0, 0], sizes = [4000, 1], strides = [1, 1]} : vector<4000x2xf32> to vector<4000x1xf32>
    %get3A_8 = arith.constant 0 : index
    %get3A_9 = arith.constant 0 : index
    %get3A_10 = vector.load %arg5[%get3A_8, %get3A_9] : memref<2x32xf32, #tpu.memory_space<vmem>>, vector<1x32xf32>
    %mul3A = vector.broadcast %slice3A : vector<4000x1xf32> to vector<4000x32xf32>
    %mul3A_11 = vector.broadcast %get3A_10 : vector<1x32xf32> to vector<4000x32xf32>
    %mul3A_12 = arith.mulf %mul3A, %mul3A_11 : vector<4000x32xf32>
    %slice3A_13 = vector.extract_strided_slice %add3A {offsets = [0, 1], sizes = [4000, 1], strides = [1, 1]} : vector<4000x2xf32> to vector<4000x1xf32>
    %get3A_14 = arith.constant 1 : index
    %get3A_15 = arith.constant 0 : index
    %get3A_16 = vector.load %arg5[%get3A_14, %get3A_15] : memref<2x32xf32, #tpu.memory_space<vmem>>, vector<1x32xf32>
    %mul3A_17 = vector.broadcast %slice3A_13 : vector<4000x1xf32> to vector<4000x32xf32>
    %mul3A_18 = vector.broadcast %get3A_16 : vector<1x32xf32> to vector<4000x32xf32>
    %mul3A_19 = arith.mulf %mul3A_17, %mul3A_18 : vector<4000x32xf32>
    %add3A_20 = arith.addf %mul3A_12, %mul3A_19 : vector<4000x32xf32>
    %slice3A_21 = vector.extract_strided_slice %get3A_7 {offsets = [0, 0], sizes = [4000, 1], strides = [1, 1]} : vector<4000x2xf32> to vector<4000x1xf32>
    %get3A_22 = arith.constant 0 : index
    %get3A_23 = arith.constant 0 : index
    %get3A_24 = vector.load %arg7[%get3A_22, %get3A_23] : memref<2x32xf32, #tpu.memory_space<vmem>>, vector<1x32xf32>
    %mul3A_25 = vector.broadcast %slice3A_21 : vector<4000x1xf32> to vector<4000x32xf32>
    %mul3A_26 = vector.broadcast %get3A_24 : vector<1x32xf32> to vector<4000x32xf32>
    %mul3A_27 = arith.mulf %mul3A_25, %mul3A_26 : vector<4000x32xf32>
    %add3A_28 = arith.addf %add3A_20, %mul3A_27 : vector<4000x32xf32>
    %slice3A_29 = vector.extract_strided_slice %get3A_7 {offsets = [0, 1], sizes = [4000, 1], strides = [1, 1]} : vector<4000x2xf32> to vector<4000x1xf32>
    %get3A_30 = arith.constant 1 : index
    %get3A_31 = arith.constant 0 : index
    %get3A_32 = vector.load %arg7[%get3A_30, %get3A_31] : memref<2x32xf32, #tpu.memory_space<vmem>>, vector<1x32xf32>
    %mul3A_33 = vector.broadcast %slice3A_29 : vector<4000x1xf32> to vector<4000x32xf32>
    %mul3A_34 = vector.broadcast %get3A_32 : vector<1x32xf32> to vector<4000x32xf32>
    %mul3A_35 = arith.mulf %mul3A_33, %mul3A_34 : vector<4000x32xf32>
    %add3A_36 = arith.addf %add3A_28, %mul3A_35 : vector<4000x32xf32>
    %get3A_37 = arith.constant 0 : index
    %get3A_38 = arith.constant 0 : index
    %get3A_39 = vector.load %arg6[%get3A_37, %get3A_38] : memref<1x32xf32, #tpu.memory_space<vmem>>, vector<1x32xf32>
    %add3A_40 = vector.broadcast %get3A_39 : vector<1x32xf32> to vector<4000x32xf32>
    %add3A_41 = arith.addf %add3A_36, %add3A_40 : vector<4000x32xf32>
    %gt3A = arith.constant 0.000000e+00 : f32
    %gt3A_42 = vector.broadcast %gt3A : f32 to vector<4000x32xf32>
    %gt3A_43 = arith.cmpf ogt, %add3A_41, %gt3A_42 : vector<4000x32xf32>
    %mul3A_44 = arith.constant 0.00999999977 : f32
    %mul3A_45 = vector.broadcast %mul3A_44 : f32 to vector<4000x32xf32>
    %mul3A_46 = arith.mulf %mul3A_45, %add3A_41 : vector<4000x32xf32>
    %select_n3A = arith.select %gt3A_43, %add3A_41, %mul3A_46 : vector<4000x32xi1>, vector<4000x32xf32>
    %get3A_47 = arith.constant 0 : index
    %get3A_48 = arith.constant 0 : index
    %get3A_49 = arith.constant 0 : index
    %get3A_50 = vector.load %arg8[%get3A_47, %get3A_48, %get3A_49] : memref<1x32x16xf32, #tpu.memory_space<vmem>>, vector<1x32x16xf32>
    %get3A_51 = vector.shape_cast %get3A_50 : vector<1x32x16xf32> to vector<32x16xf32>
    %dot_general3A = arith.constant dense<0.000000e+00> : vector<4000x16xf32>
    %dot_general3A_52 = tpu.matmul %select_n3A, %get3A_51, %dot_general3A {dimension_numbers = #tpu.dot_dimension_numbers<[1], [0], [0], [1], [0, 0, 1, 1], [], []>, precision = #tpu.contract_precision<fp32>, transpose_lhs_hint = false} : vector<4000x32xf32>, vector<32x16xf32>, vector<4000x16xf32> -> vector<4000x16xf32>
    %mul3A_53 = arith.constant 0.176776692 : f32
    %mul3A_54 = vector.broadcast %mul3A_53 : f32 to vector<4000x16xf32>
    %mul3A_55 = arith.mulf %dot_general3A_52, %mul3A_54 : vector<4000x16xf32>
    %swap3A = arith.constant 0 : index
    %swap3A_56 = arith.constant 0 : index
    %swap3A_57 = vector.load %arg9[%swap3A, %swap3A_56] : memref<4000x16xf32, #tpu.memory_space<vmem>>, vector<4000x16xf32>
    tpu.vector_store %arg9[%swap3A, %swap3A_56], %mul3A_55 {strides = array<i32>} : memref<4000x16xf32, #tpu.memory_space<vmem>>, vector<4000x16xf32>,
    return
  }
  func.func @transform_0(%arg0: i32, %arg1: i32) -> (i32, i32) {
    %c0_i32 = arith.constant 0 : i32
    %c0_i32_0 = arith.constant 0 : i32
    return %arg1, %c0_i32 : i32, i32
  }
  func.func @transform_1(%arg0: i32, %arg1: i32) -> (i32, i32) {
    %add3A = arith.constant 25 : i32
    %add3A_0 = arith.addi %add3A, %arg1 : i32
    %c0_i32 = arith.constant 0 : i32
    %c0_i32_1 = arith.constant 0 : i32
    return %add3A_0, %c0_i32 : i32, i32
  }
  func.func @transform_2(%arg0: i32, %arg1: i32) -> (i32, i32) {
    %c0_i32 = arith.constant 0 : i32
    %c0_i32_0 = arith.constant 0 : i32
    return %arg1, %c0_i32 : i32, i32
  }
  func.func @transform_3(%arg0: i32, %arg1: i32) -> (i32, i32) {
    %c0_i32 = arith.constant 0 : i32
    %c0_i32_0 = arith.constant 0 : i32
    %c0_i32_1 = arith.constant 0 : i32
    return %c0_i32, %c0_i32_0 : i32, i32
  }
  func.func @transform_4(%arg0: i32, %arg1: i32) -> (i32, i32) {
    %c0_i32 = arith.constant 0 : i32
    %c0_i32_0 = arith.constant 0 : i32
    %c0_i32_1 = arith.constant 0 : i32
    return %c0_i32, %c0_i32_0 : i32, i32
  }
  func.func @transform_5(%arg0: i32, %arg1: i32) -> (i32, i32) {
    %c0_i32 = arith.constant 0 : i32
    %c0_i32_0 = arith.constant 0 : i32
    %c0_i32_1 = arith.constant 0 : i32
    return %c0_i32, %c0_i32_0 : i32, i32
  }
  func.func @transform_6(%arg0: i32, %arg1: i32) -> (i32, i32, i32) {
    %c0_i32 = arith.constant 0 : i32
    %c0_i32_0 = arith.constant 0 : i32
    %c0_i32_1 = arith.constant 0 : i32
    return %arg0, %c0_i32, %c0_i32_0 : i32, i32, i32
  }
  func.func @transform_7(%arg0: i32, %arg1: i32) -> (i32, i32) {
    %mul3A = arith.constant 25 : i32
    %mul3A_0 = arith.muli %arg0, %mul3A : i32
    %add3A = arith.addi %mul3A_0, %arg1 : i32
    %c0_i32 = arith.constant 0 : i32
    %c0_i32_1 = arith.constant 0 : i32
    return %add3A, %c0_i32 : i32, i32
  }
}

module attributes {stable_mosaic.version = 14 : i64} {
  func.func @body(%arg0: i32, %arg1: memref<4000x16xf32, #tpu.memory_space<vmem>>, %arg2: memref<4000x16xf32, #tpu.memory_space<vmem>>, %arg3: memref<4000x16xf32, #tpu.memory_space<vmem>>, %arg4: memref<4000x16xf32, #tpu.memory_space<vmem>>, %arg5: memref<64x32xf32, #tpu.memory_space<vmem>>, %arg6: memref<1x32xf32, #tpu.memory_space<vmem>>, %arg7: memref<32x32xf32, #tpu.memory_space<vmem>>, %arg8: memref<32x32xf32, #tpu.memory_space<vmem>>, %arg9: memref<1x32xf32, #tpu.memory_space<vmem>>, %arg10: memref<32x1xf32, #tpu.memory_space<vmem>>, %arg11: memref<1x1xf32, #tpu.memory_space<vmem>>, %arg12: memref<1x1xf32, #tpu.memory_space<smem>>, %arg13: memref<4000x1xf32, #tpu.memory_space<vmem>>) attributes {dimension_semantics = [#tpu.dimension_semantics<arbitrary>], iteration_bounds = array<i64: 25>, scalar_prefetch = 0 : i64, scratch_operands = 0 : i64, tpu.core_type = #tpu.core_type<tc>, window_params = [{transform_indices = @transform_0, window_bounds = array<i64: 4000, 16>}, {transform_indices = @transform_1, window_bounds = array<i64: 4000, 16>}, {transform_indices = @transform_2, window_bounds = array<i64: 4000, 16>}, {transform_indices = @transform_3, window_bounds = array<i64: 4000, 16>}, {pipeline_mode = #tpu.pipeline_mode<synchronous>, transform_indices = @transform_4, window_bounds = array<i64: 64, 32>}, {pipeline_mode = #tpu.pipeline_mode<synchronous>, transform_indices = @transform_5, window_bounds = array<i64: 1, 32>}, {pipeline_mode = #tpu.pipeline_mode<synchronous>, transform_indices = @transform_6, window_bounds = array<i64: 32, 32>}, {pipeline_mode = #tpu.pipeline_mode<synchronous>, transform_indices = @transform_7, window_bounds = array<i64: 32, 32>}, {pipeline_mode = #tpu.pipeline_mode<synchronous>, transform_indices = @transform_8, window_bounds = array<i64: 1, 32>}, {pipeline_mode = #tpu.pipeline_mode<synchronous>, transform_indices = @transform_9, window_bounds = array<i64: 32, 1>}, {pipeline_mode = #tpu.pipeline_mode<synchronous>, transform_indices = @transform_10, window_bounds = array<i64: 1, 1>}, {transform_indices = @transform_11, window_bounds = array<i64: 1, 1>}, {transform_indices = @transform_12, window_bounds = array<i64: 4000, 1>}]} {
    %get3A = arith.constant 0 : index
    %get3A_0 = arith.constant 0 : index
    %get3A_1 = vector.load %arg1[%get3A, %get3A_0] : memref<4000x16xf32, #tpu.memory_space<vmem>>, vector<4000x16xf32>
    %get3A_2 = arith.constant 0 : index
    %get3A_3 = arith.constant 0 : index
    %get3A_4 = vector.load %arg2[%get3A_2, %get3A_3] : memref<4000x16xf32, #tpu.memory_space<vmem>>, vector<4000x16xf32>
    %get3A_5 = arith.constant 0 : index
    %get3A_6 = arith.constant 0 : index
    %get3A_7 = vector.load %arg3[%get3A_5, %get3A_6] : memref<4000x16xf32, #tpu.memory_space<vmem>>, vector<4000x16xf32>
    %get3A_8 = arith.constant 0 : index
    %get3A_9 = arith.constant 0 : index
    %get3A_10 = vector.load %arg4[%get3A_8, %get3A_9] : memref<4000x16xf32, #tpu.memory_space<vmem>>, vector<4000x16xf32>
    %concatenate3A = tpu.concatenate %get3A_1, %get3A_4, %get3A_7, %get3A_10 in 1 : vector<4000x16xf32>, vector<4000x16xf32>, vector<4000x16xf32>, vector<4000x16xf32> -> vector<4000x64xf32>
    %slice3A = vector.extract_strided_slice %concatenate3A {offsets = [0, 32], sizes = [4000, 32], strides = [1, 1]} : vector<4000x64xf32> to vector<4000x32xf32>
    %get3A_11 = arith.constant 0 : index
    %get3A_12 = arith.constant 0 : index
    %get3A_13 = vector.load %arg5[%get3A_11, %get3A_12] : memref<64x32xf32, #tpu.memory_space<vmem>>, vector<64x32xf32>
    %dot_general3A = arith.constant dense<0.000000e+00> : vector<4000x32xf32>
    %dot_general3A_14 = tpu.matmul %concatenate3A, %get3A_13, %dot_general3A {dimension_numbers = #tpu.dot_dimension_numbers<[1], [0], [0], [1], [0, 0, 1, 1], [], []>, precision = #tpu.contract_precision<fp32>, transpose_lhs_hint = false} : vector<4000x64xf32>, vector<64x32xf32>, vector<4000x32xf32> -> vector<4000x32xf32>
    %get3A_15 = arith.constant 0 : index
    %get3A_16 = arith.constant 0 : index
    %get3A_17 = vector.load %arg6[%get3A_15, %get3A_16] : memref<1x32xf32, #tpu.memory_space<vmem>>, vector<1x32xf32>
    %add3A = vector.broadcast %get3A_17 : vector<1x32xf32> to vector<4000x32xf32>
    %add3A_18 = arith.addf %dot_general3A_14, %add3A : vector<4000x32xf32>
    %gt3A = arith.constant 0.000000e+00 : f32
    %gt3A_19 = vector.broadcast %gt3A : f32 to vector<4000x32xf32>
    %gt3A_20 = arith.cmpf ogt, %add3A_18, %gt3A_19 : vector<4000x32xf32>
    %mul3A = arith.constant 0.00999999977 : f32
    %mul3A_21 = vector.broadcast %mul3A : f32 to vector<4000x32xf32>
    %mul3A_22 = arith.mulf %mul3A_21, %add3A_18 : vector<4000x32xf32>
    %select_n3A = arith.select %gt3A_20, %add3A_18, %mul3A_22 : vector<4000x32xi1>, vector<4000x32xf32>
    %get3A_23 = arith.constant 0 : index
    %get3A_24 = arith.constant 0 : index
    %get3A_25 = vector.load %arg7[%get3A_23, %get3A_24] : memref<32x32xf32, #tpu.memory_space<vmem>>, vector<32x32xf32>
    %get3A_26 = arith.constant 0 : index
    %get3A_27 = arith.constant 0 : index
    %get3A_28 = vector.load %arg8[%get3A_26, %get3A_27] : memref<32x32xf32, #tpu.memory_space<vmem>>, vector<32x32xf32>
    %dot_general3A_29 = arith.constant dense<0.000000e+00> : vector<32x32xf32>
    %dot_general3A_30 = tpu.matmul %get3A_25, %get3A_28, %dot_general3A_29 {dimension_numbers = #tpu.dot_dimension_numbers<[1], [0], [0], [1], [0, 0, 1, 1], [], []>, precision = #tpu.contract_precision<fp32>, transpose_lhs_hint = false} : vector<32x32xf32>, vector<32x32xf32>, vector<32x32xf32> -> vector<32x32xf32>
    %mul3A_31 = arith.constant 0.176776692 : f32
    %mul3A_32 = vector.broadcast %mul3A_31 : f32 to vector<32x32xf32>
    %mul3A_33 = arith.mulf %dot_general3A_30, %mul3A_32 : vector<32x32xf32>
    %get3A_34 = arith.constant 0 : index
    %get3A_35 = arith.constant 0 : index
    %get3A_36 = memref.load %arg12[%get3A_34, %get3A_35] : memref<1x1xf32, #tpu.memory_space<smem>>
    %get3A_37 = arith.constant 0 : index
    %get3A_38 = arith.constant 0 : index
    %get3A_39 = vector.load %arg8[%get3A_37, %get3A_38] : memref<32x32xf32, #tpu.memory_space<vmem>>, vector<32x32xf32>
    %dot_general3A_40 = arith.constant dense<0.000000e+00> : vector<4000x32xf32>
    %dot_general3A_41 = tpu.matmul %slice3A, %get3A_39, %dot_general3A_40 {dimension_numbers = #tpu.dot_dimension_numbers<[1], [0], [0], [1], [0, 0, 1, 1], [], []>, precision = #tpu.contract_precision<fp32>, transpose_lhs_hint = false} : vector<4000x32xf32>, vector<32x32xf32>, vector<4000x32xf32> -> vector<4000x32xf32>
    %mul3A_42 = vector.broadcast %get3A_36 : f32 to vector<4000x32xf32>
    %mul3A_43 = arith.mulf %mul3A_42, %dot_general3A_41 : vector<4000x32xf32>
    %dot_general3A_44 = arith.constant dense<0.000000e+00> : vector<4000x32xf32>
    %dot_general3A_45 = tpu.matmul %select_n3A, %mul3A_33, %dot_general3A_44 {dimension_numbers = #tpu.dot_dimension_numbers<[1], [0], [0], [1], [0, 0, 1, 1], [], []>, precision = #tpu.contract_precision<fp32>, transpose_lhs_hint = false} : vector<4000x32xf32>, vector<32x32xf32>, vector<4000x32xf32> -> vector<4000x32xf32>
    %add3A_46 = arith.addf %mul3A_43, %dot_general3A_45 : vector<4000x32xf32>
    %get3A_47 = arith.constant 0 : index
    %get3A_48 = arith.constant 0 : index
    %get3A_49 = vector.load %arg9[%get3A_47, %get3A_48] : memref<1x32xf32, #tpu.memory_space<vmem>>, vector<1x32xf32>
    %add3A_50 = vector.broadcast %get3A_49 : vector<1x32xf32> to vector<4000x32xf32>
    %add3A_51 = arith.addf %add3A_46, %add3A_50 : vector<4000x32xf32>
    %max3A = arith.constant 0.000000e+00 : f32
    %max3A_52 = vector.broadcast %max3A : f32 to vector<4000x32xf32>
    %max3A_53 = arith.maximumf %add3A_51, %max3A_52 : vector<4000x32xf32>
    %get3A_54 = arith.constant 0 : index
    %get3A_55 = arith.constant 0 : index
    %get3A_56 = vector.load %arg10[%get3A_54, %get3A_55] : memref<32x1xf32, #tpu.memory_space<vmem>>, vector<32x1xf32>
    %dot_general3A_57 = arith.constant dense<0.000000e+00> : vector<4000x1xf32>
    %dot_general3A_58 = tpu.matmul %max3A_53, %get3A_56, %dot_general3A_57 {dimension_numbers = #tpu.dot_dimension_numbers<[1], [0], [0], [1], [0, 0, 1, 1], [], []>, precision = #tpu.contract_precision<fp32>, transpose_lhs_hint = false} : vector<4000x32xf32>, vector<32x1xf32>, vector<4000x1xf32> -> vector<4000x1xf32>
    %get3A_59 = arith.constant 0 : index
    %get3A_60 = arith.constant 0 : index
    %get3A_61 = vector.load %arg11[%get3A_59, %get3A_60] : memref<1x1xf32, #tpu.memory_space<vmem>>, vector<1x1xf32>
    %add3A_62 = vector.broadcast %get3A_61 : vector<1x1xf32> to vector<4000x1xf32>
    %add3A_63 = arith.addf %dot_general3A_58, %add3A_62 : vector<4000x1xf32>
    %swap3A = arith.constant 0 : index
    %swap3A_64 = arith.constant 0 : index
    %swap3A_65 = vector.load %arg13[%swap3A, %swap3A_64] : memref<4000x1xf32, #tpu.memory_space<vmem>>, vector<4000x1xf32>
    tpu.vector_store %arg13[%swap3A, %swap3A_64], %add3A_63 {strides = array<i32>} : memref<4000x1xf32, #tpu.memory_space<vmem>>, vector<4000x1xf32>,
    return
  }
  func.func @transform_0(%arg0: i32) -> (i32, i32) {
    %c0_i32 = arith.constant 0 : i32
    %c0_i32_0 = arith.constant 0 : i32
    return %arg0, %c0_i32 : i32, i32
  }
  func.func @transform_1(%arg0: i32) -> (i32, i32) {
    %add3A = arith.constant 25 : i32
    %add3A_0 = arith.addi %add3A, %arg0 : i32
    %c0_i32 = arith.constant 0 : i32
    %c0_i32_1 = arith.constant 0 : i32
    return %add3A_0, %c0_i32 : i32, i32
  }
  func.func @transform_2(%arg0: i32) -> (i32, i32) {
    %c0_i32 = arith.constant 0 : i32
    %c0_i32_0 = arith.constant 0 : i32
    return %arg0, %c0_i32 : i32, i32
  }
  func.func @transform_3(%arg0: i32) -> (i32, i32) {
    %add3A = arith.constant 25 : i32
    %add3A_0 = arith.addi %add3A, %arg0 : i32
    %c0_i32 = arith.constant 0 : i32
    %c0_i32_1 = arith.constant 0 : i32
    return %add3A_0, %c0_i32 : i32, i32
  }
  func.func @transform_4(%arg0: i32) -> (i32, i32) {
    %c0_i32 = arith.constant 0 : i32
    %c0_i32_0 = arith.constant 0 : i32
    %c0_i32_1 = arith.constant 0 : i32
    return %c0_i32, %c0_i32_0 : i32, i32
  }
  func.func @transform_5(%arg0: i32) -> (i32, i32) {
    %c0_i32 = arith.constant 0 : i32
    %c0_i32_0 = arith.constant 0 : i32
    %c0_i32_1 = arith.constant 0 : i32
    return %c0_i32, %c0_i32_0 : i32, i32
  }
  func.func @transform_6(%arg0: i32) -> (i32, i32) {
    %c0_i32 = arith.constant 0 : i32
    %c0_i32_0 = arith.constant 0 : i32
    %c0_i32_1 = arith.constant 0 : i32
    return %c0_i32, %c0_i32_0 : i32, i32
  }
  func.func @transform_7(%arg0: i32) -> (i32, i32) {
    %c0_i32 = arith.constant 0 : i32
    %c0_i32_0 = arith.constant 0 : i32
    %c0_i32_1 = arith.constant 0 : i32
    return %c0_i32, %c0_i32_0 : i32, i32
  }
  func.func @transform_8(%arg0: i32) -> (i32, i32) {
    %c0_i32 = arith.constant 0 : i32
    %c0_i32_0 = arith.constant 0 : i32
    %c0_i32_1 = arith.constant 0 : i32
    return %c0_i32, %c0_i32_0 : i32, i32
  }
  func.func @transform_9(%arg0: i32) -> (i32, i32) {
    %c0_i32 = arith.constant 0 : i32
    %c0_i32_0 = arith.constant 0 : i32
    %c0_i32_1 = arith.constant 0 : i32
    return %c0_i32, %c0_i32_0 : i32, i32
  }
  func.func @transform_10(%arg0: i32) -> (i32, i32) {
    %c0_i32 = arith.constant 0 : i32
    %c0_i32_0 = arith.constant 0 : i32
    %c0_i32_1 = arith.constant 0 : i32
    return %c0_i32, %c0_i32_0 : i32, i32
  }
  func.func @transform_11(%arg0: i32) -> (i32, i32) {
    %c0_i32 = arith.constant 0 : i32
    %c0_i32_0 = arith.constant 0 : i32
    %c0_i32_1 = arith.constant 0 : i32
    return %c0_i32, %c0_i32_0 : i32, i32
  }
  func.func @transform_12(%arg0: i32) -> (i32, i32) {
    %c0_i32 = arith.constant 0 : i32
    %c0_i32_0 = arith.constant 0 : i32
    return %arg0, %c0_i32 : i32, i32
  }
}

</mosaic_0001>

<sc_bundles>
// kernel: kernel.6.cloned.1.call-start
scs
__scs_entry_jumppad:
0x0: {  	(pc) =	sbr.rel $0x88, $3  }
0x1: {  	(tag) =	ssettag $0x0;
	lr =	simm.s32 $0x1  }
0x2: {  	[smem:$0x3F92] =	sst lr;
	_ =	strace $0xD0000000  }
0x3: {  	_ = 	snop  }
0x4: {  	_ = 	snop  }
0x5: {  	_ = 	snop  }
0x6: {  	_ = 	snop  }
0x7: {  	_ = 	snop  }
__scs_overlays_trampoline_lowered:
0x8: {  	[smem:$0x3FA1] =	sst s0  }
0x9: {  	[smem:$0x3FA2] =	sst s1  }
0xa: {  	[smem:$0x3FA3] =	sst s2  }
0xb: {  	[smem:$0x3FA4] =	sst s3  }
0xc: {  	[smem:$0x3FA5] =	sst s4  }
0xd: {  	[smem:$0x3FA6] =	sst s5  }
0xe: {  	[smem:$0x3FA7] =	sst s6  }
0xf: {  	[smem:$0x3FA8] =	sst s7  }
0x10: {  	[smem:$0x3FA9] =	sst s8  }
0x11: {  	[smem:$0x3FAA] =	sst s9;
	s0 =	simm.s32 @!p0 $0x0  }
0x12: {  	s1 =	sld [smem:$0x3F90];
	s0 =	simm.s32 @p0 $0x1  }
0x13: {  	[smem:$0x3FAB] =	sst s0;
	s0 =	simm.s32 @!p1 $0x0  }
0x14: {  	s2 =	sld [smem:$0x3F8F];
	s0 =	simm.s32 @p1 $0x1  }
0x15: {  	[smem:$0x3FAC] =	sst s0;
	s0 =	simm.s32 @!p2 $0x0  }
0x16: {  	s3 =	sld [smem:$0x3FDB];
	s0 =	simm.s32 @p2 $0x1  }
0x17: {  	s4 =	simm.s32 $0x1BF5;
	[smem:$0x3FAE] =	sst s0  }
0x18: {  	s0 =	sld [smem:$0x3F91];
	_ =	swait.ge [sflag:s4], $0x0  }
0x19: {  	s7 =	sld [smem:$0x3F92]  }
0x1a: {  	s8 =	sadd.s32 $0xFFFFE003, lr  }
0x1b: {  	s9 =	sadd.s32 $0xFFFFFEF7, lr;
	s5 =	simm.s32 $0xFFFFFFFF;
	p2 =	slt.u32 s8, $0xFFFFF086  }
0x1c: {  	p1 =	slt.u32 s9, $0xF7A;
	s5 =	simm.s32 @!p2 $0x0  }
0x1d: {  	s5 =	simm.s32 @p1 $0x1;
	p0 =	seq.s32 s7, s2  }
0x1e: {  	s7 =	smul.u32 @!p0 $0xF7A, s2;
	p2 =	seq.s32 @!p0 s5, $0x0  }
0x1f: {  	s9 =	smul.u32 $0xF7A, s1;
	s8 =	simm.s32 @!p0 $0x1BF5;
	p2 =	por !p2, p0  }
0x20: {  	[sflag:s8] =	ssyncset.s32 @!p0 $0xFFFFF086;
	s6 =	sadd.s32 @!p0 s3, s7;
	s7 =	simm.s32 @!p0 $0x108  }
0x21: {  	s3 =	sadd.s32 s3, s9;
	s6 =	sadd.s32 @!p0 $0x88, s6;
	s7 =	simm.s32 @p2 $0x1082  }
0x22: {  	[simem:s7], [sflag:s8] =	dma.local @!p0 [hbm:s6], $0xF7A  }
0x23: {  	s9 =	sor.u32 $0xD0000000, s2;
	s6 =	simm.s32 $0x108;
	_ =	swait.ge @!p0 [sflag:s8], $0x0  }
0x24: {  	s3 =	sadd.s32 $0x88, s3;
	s6 =	simm.s32 @!p1 $0x1082;
	[sflag:s4] =	ssyncset.s32 $0xFFFFF086  }
0x25: {  	[simem:s6], [sflag:s4] =	dma.local [hbm:s3], $0xF7A  }
0x26: {  	[smem:$0x3F92] =	sst s1;
	(tag) =	ssettag s2;
	_ =	strace s9  }
0x27: {  	s1 =	sld [smem:$0x3FA2]  }
0x28: {  	s2 =	sld [smem:$0x3FA3]  }
0x29: {  	s4 =	sld [smem:$0x3FA5]  }
0x2a: {  	p0 =	seq.s32 s5, $0x0;
	s5 =	sld [smem:$0x3FA6]  }
0x2b: {  	s6 =	sld [smem:$0x3FA7]  }
0x2c: {  	s7 =	sld [smem:$0x3FA8]  }
0x2d: {  	s3 =	simm.s32 $0x108;
	s8 =	sld [smem:$0x3FA9]  }
0x2e: {  	s3 =	simm.s32 @!p0 $0x1082;
	s9 =	sld [smem:$0x3FAA]  }
0x2f: {  	lr =	sadd.s32 s0, s3;
	s0 =	sld [smem:$0x3FA1]  }
0x30: {  	s3 =	sld [smem:$0x3FA4]  }
0x31: {  	[smem:$0x3FAD] =	sst s10  }
0x32: {  	s10 =	sld [smem:$0x3FAB];
	_ =	sdelay $0x3  }
0x33: {  	p0 =	seq.s32 s10, $0x1;
	s10 =	sld [smem:$0x3FAD];
	_ =	sdelay $0x3  }
0x34: {  	[smem:$0x3FAD] =	sst s10  }
0x35: {  	s10 =	sld [smem:$0x3FAC];
	_ =	sdelay $0x3  }
0x36: {  	p1 =	seq.s32 s10, $0x1;
	s10 =	sld [smem:$0x3FAD];
	_ =	sdelay $0x3  }
0x37: {  	[smem:$0x3FAD] =	sst s10  }
0x38: {  	s10 =	sld [smem:$0x3FAE]  }
0x39: {  	_ = 	snop;
	(pc) =	sbr.ind lr, $3  }
0x3a: {  	_ = 	snop  }
0x3b: {  	_ = 	snop  }
0x3c: {  	p2 =	seq.s32 s10, $0x1;
	s10 =	sld [smem:$0x3FAD]  }
0x3d: {  	_ =	shalt  }
0x3e: {  	_ =	shalt  }
0x3f: {  	_ =	shalt  }
0x40: {  	_ =	shalt  }
0x41: {  	_ =	shalt  }
0x42: {  	_ =	shalt  }
0x43: {  	_ =	shalt  }
0x44: {  	_ =	shalt  }
0x45: {  	_ =	shalt  }
0x46: {  	_ =	shalt  }
0x47: {  	_ =	shalt  }
0x48: {  	_ =	shalt  }
0x49: {  	_ =	shalt  }
0x4a: {  	_ =	shalt  }
0x4b: {  	_ =	shalt  }
0x4c: {  	_ =	shalt  }
0x4d: {  	_ =	shalt  }
0x4e: {  	_ =	shalt  }
0x4f: {  	_ =	shalt  }
0x50: {  	_ =	shalt  }
0x51: {  	_ =	shalt  }
0x52: {  	_ =	shalt  }
0x53: {  	_ =	shalt  }
0x54: {  	_ =	shalt  }
0x55: {  	_ =	shalt  }
0x56: {  	_ =	shalt  }
0x57: {  	_ =	shalt  }
0x58: {  	_ =	shalt  }
0x59: {  	_ =	shalt  }
0x5a: {  	_ =	shalt  }
0x5b: {  	_ =	shalt  }
0x5c: {  	_ =	shalt  }
0x5d: {  	_ =	shalt  }
0x5e: {  	_ =	shalt  }
0x5f: {  	_ =	shalt  }
0x60: {  	_ =	shalt  }
0x61: {  	_ =	shalt  }
0x62: {  	_ =	shalt  }
0x63: {  	_ =	shalt  }
0x64: {  	_ =	shalt  }
0x65: {  	_ =	shalt  }
0x66: {  	_ =	shalt  }
0x67: {  	_ =	shalt  }
0x68: {  	_ =	shalt  }
0x69: {  	_ =	shalt  }
0x6a: {  	_ =	shalt  }
0x6b: {  	_ =	shalt  }
0x6c: {  	_ =	shalt  }
0x6d: {  	_ =	shalt  }
0x6e: {  	_ =	shalt  }
0x6f: {  	_ =	shalt  }
0x70: {  	_ =	shalt  }
0x71: {  	_ =	shalt  }
0x72: {  	_ =	shalt  }
0x73: {  	_ =	shalt  }
0x74: {  	_ =	shalt  }
0x75: {  	_ =	shalt  }
0x76: {  	_ =	shalt  }
0x77: {  	_ =	shalt  }
0x78: {  	_ =	shalt  }
0x79: {  	_ =	shalt  }
0x7a: {  	_ =	shalt  }
0x7b: {  	_ =	shalt  }
0x7c: {  	_ =	shalt  }
0x7d: {  	_ =	shalt  }
0x7e: {  	_ =	shalt  }
0x7f: {  	_ =	shalt  }
0x80: {  	_ =	shalt  }
0x81: {  	_ =	shalt  }
0x82: {  	_ =	shalt  }
0x83: {  	_ =	shalt  }
0x84: {  	_ =	shalt  }
0x85: {  	_ =	shalt  }
0x86: {  	_ =	shalt  }
0x87: {  	_ =	shalt  }
.Lfunc_end0:
.L_simem_size_0:
called_computation_lowered:
.L_overlay_start_0:
0x88: {  	s2 =	sld [smem:$0x3FD9]  }
0x89: {  	s3 =	sld [smem:$0x3FFE];
	_ =	sdelay $0x1  }
0x8a: {  	s1 =	srdreg.scid  }
0x8b: {  	s0 =	sand.u32 $0x1, s1  }
0x8c: {  	s16 =	sshll.u32 s0, $0xA;
	s2 =	sadd.s32 s3, s2  }
0x8d: {  	s2 =	sadd.s32 s2, s16  }
0x8e: {  	[smem:$0x3FB9] =	sst s2  }
0x8f: {  	_ = 	snop  }
0x90: {  	(tm) =	ssettm $0x1  }
0x91: {  	s17 =	sld [smem:$0x3FFB];
	_ =	sdelay $0x3  }
0x92: {  	_ =	strace s17  }
0x93: {  	s2 =	sld [smem:$0x3FFC];
	_ =	sdelay $0x3  }
0x94: {  	_ =	strace s2  }
0x95: {  	s2 =	sld [smem:$0x3FFD];
	_ =	sdelay $0x3  }
0x96: {  	_ =	strace s2  }
0x97: {  	_ =	strace $0x8FFFFFFF  }
0x98: {  	s18 =	sld [smem:$0x3FDB];
	_ =	sdelay $0x1  }
0x99: {  	s19 =	simm.s32 $_scs_section_size  }
0x9a: {  	s4 =	simm.s32 $_size__tile_overlayer_lowered;
	s5 =	simm.s32 $_tile_overlayer_lowered  }
0x9b: {  	s22 =	simm.s32 $0x1BFF;
	s21 =	sshll.u32 s5, $0x1;
	s2 =	sadd.s32 s19, s18  }
0x9c: {  	s6 =	simm.s32 $0x0;
	s20 =	sshll.u32 s4, $0x1;
	s4 =	sadd.s32 s21, s2  }
0x9d: {  	[timem:s6], [sflag:s22] =	dma.local [hbm:s4], s20  }
0x9e: {  	_ =	swait.ge [sflag:s22], s20  }
0x9f: {  	s3 =	ssub.s32 $0x0, s20;
	[sflag:s22] =	ssyncset.done $0x0  }
0xa0: {  	[sflag:s22] =	ssyncadd.s32 s3;
	_ =	sdelay $0x1  }
0xa1: {  	s23 =	simm.s32 $0x1B8B  }
0xa2: {  	_ =	swait.ge [sflag:s23], $0x1  }
0xa3: {  	[sflag:s23] =	ssyncset.done $0x0  }
0xa4: {  	s25 =	simm.s32 $0x1B8E;
	s24 =	sld [smem:$0x3FFE];
	[sflag:s23] =	ssyncadd.s32 $0xFFFFFFFF  }
0xa5: {  	s26 =	simm.s32 $execute0_lowered;
	[smem:$0x3FD2] =	sst s25  }
0xa6: {  	s4 =	sshll.u32 s26, $0x1;
	_ =	strace $0x80000046;
	[dreg:$0x1] =	wrdreg $0xFFFFFFFF  }
0xa7: {  	s28 =	simm.s32 $_size_execute0_lowered;
	s2 =	sadd.s32 s2, s4;
	[dreg:$0x0] =	wrdreg $0x0  }
0xa8: {  	s4 =	sshll.u32 s28, $0x1;
	[dreg:$0x2] =	wrdreg s2  }
0xa9: {  	[dreg:$0x3] =	wrdreg s4  }
0xaa: {  	[dreg:$0x4] =	wrdreg $0xC0  }
0xab: {  	_ =	task [dreg:s6], $0x5FFFF  }
0xac: {  	[dreg:$0x1] =	wrdreg $0xFFFFFFFF  }
0xad: {  	[dreg:$0x0] =	wrdreg $0x60  }
0xae: {  	[dreg:$0x2] =	wrdreg s24  }
0xaf: {  	[dreg:$0x3] =	wrdreg $0xF4600  }
0xb0: {  	[dreg:$0x4] =	wrdreg $0x9  }
0xb1: {  	_ =	task.clear_ibuf [dreg:s6], $0x5FFFF;
	_ =	strace $0x90000046  }
0xb2: {  	s29 =	simm.s32 $0x9;
	_ =	strace $0x80000048  }
0xb3: {  	_ =	swait.ge [sflag:s29], $0x1  }
0xb4: {  	[sflag:s29] =	ssyncadd.s32 $0xFFFFFFFF  }
0xb5: {  	_ =	strace $0x90000048  }
0xb6: {  	_ =	sfence  }
0xb7: {  	s30 =	sld [smem:$0x0];
	_ =	sdelay $0x2  }
0xb8: {  	s31 =	sshll.u32 s1, $0xD;
	s1 =	sshrl.u32 s1, $0x2  }
0xb9: {  	s3 =	sand.u32 $0x4000, s31;
	s1 =	sadd.s32 s1, s30  }
0xba: {  	s0 =	sor.u32 s3, s0;
	s1 =	sshll.u32 s1, $0x11  }
0xbb: {  	s0 =	sor.u32 s1, s0  }
0xbc: {  	s0 =	sadd.s32 $0x8F2B, s0  }
0xbd: {  	[sflag:s0] =	ssyncadd.remote.s32 $0x1  }
0xbe: {  	_ =	sfence.sel $0xFFFF  }
0xbf: {  	[dreg:$0x0] =	wrdreg $0xFFFFFFFF;
	(pc) =	sbr.abs _section_cstart, $3  }
0xc0: {  	[dreg:$0x1] =	wrdreg $0xFFFFFFFF  }
0xc1: {  	_ =	task.clear_ibuf [dreg:s6], $0x2FFFF;
	_ =	strace $0x9FFFFFFF  }
0xc2: {  	(tm) =	ssettm $0x7FFFFFFF  }
0xc3: {  	_ =	shalt  }
tec
execute0_lowered:
.L_overlay_start_1:
0x0: {  	(tag) =	ssettag $0x1  }
0x1: {  	s5 =	rddreg [dreg:$0x0]  }
0x2: {  	s1 =	srdreg.scid;
	s0 =	stileid.u32  }
0x3: {  	s2 =	rddreg [dreg:$0x1];
	s3 =	simm.s32 $0x0;
	s13 =	simm.s32 $0x1870  }
0x4: {  	s14 =	simm.s32 $0x30E0;
	s15 =	simm.s32 $0x1;
	s4 =	smul.u32 $0x18700, s0  }
0x5: {  	s6 =	sand.u32 $0x1, s1;
	s1 =	rddreg [dreg:$0x2];
	s8 =	smul.u32 $0xC350, s0  }
0x6: {  	s16 =	simm.s32 $0x0;
	[smem:$0x7FF] =	sst s3;
	s28 =	smul.u32 $0x186A, s0  }
0x7: {  	s30 =	sshll.u32 s0, $0x6;
	s7 =	smul.u32 $0xC380, s6;
	_ =	strace $0x80000047  }
0x8: {  	s9 =	ssub.s32 $0x2, s6;
	s6 =	smul.u32 $0x186A0, s6;
	s11 =	sshrl.u32 s8, $0x3  }
0x9: {  	s12 =	sshrl.u32 s9, $0x1;
	s29 =	sadd.s32 s8, s2;
	s7 =	sadd.s32 s7, s4  }
0xa: {  	s4 =	sadd.s32 $0x30F800, s5;
	s11 =	sadd.s32 s11, s5;
	s7 =	sshrl.u32 s7, $0x3  }
0xb: {  	s9 =	ssub.s32 s9, s12;
	s10 =	sadd.s32 s7, s5;
	s5 =	sadd.s32 s28, s5  }
0xc: {  	s12 =	simm.s32 $0x2;
	s31 =	sadd.s32 s6, s5;
	s5 =	sadd.s32 $0x1EA800, s11  }
0xd: {  	s8 =	smax.u32 s9, $0x1;
	s6 =	sor.u32 $0x1C02, s30;
	s9 =	sadd.s32 $0x188C00, s10  }
0xe: {  	s10 =	sadd.s32 $0x1B9A00, s10;
	s11 =	sshrl.u32 s29, $0x3;
	s7 =	sadd.s32 $0x203000, s31  }
.LBB2_1:
0xf: {  	[spmem:s11], [sflag:s6] =	dma.local [hbm:s5], $0x186A  }
0x10: {  	_ =	swait.ge [sflag:s12], $0x186A  }
0x11: {  	[sflag:s12] =	ssyncset.done $0x0  }
0x12: {  	[sflag:s12] =	ssyncadd.s32 $0xFFFFE796  }
0x13: {  	s17 =	sadd.s32 $0x0, s10;
	[bflag:$0x0] =	sbarrier.arrive $0xFFFF  }
0x14: {  	[tilespmem:s3], [sflag:$0x2] =	stream.linear.gather [hbm4b:s17+s3], $0x1870, $0x38;
	[tilespmem:$0x1B7B8] =	vst v63  }
0x15: {  	_ =	swait.ge [sflag:s12], $0x1870  }
0x16: {  	[sflag:s12] =	ssyncset.done $0x0  }
0x17: {  	[sflag:s12] =	ssyncadd.s32 $0xFFFFE790  }
0x18: {  	[tilespmem:s14], [sflag:$0x1] =	stream.indirect.gather [hbm4b:s4+s13], $0x8, s3, s13, $0xb8;
	[tilespmem:$0x1B7B8] =	vst v63  }
0x19: {  	_ =	swait.ge [sflag:s15], $0xC380  }
0x1a: {  	[sflag:s15] =	ssyncset.done $0x0  }
0x1b: {  	s31 =	sadd.s32 $0x0, s9;
	[sflag:s15] =	ssyncadd.s32 $0xFFFF3C80  }
0x1c: {  	[tilespmem:s13], [sflag:$0x2] =	stream.linear.gather [hbm4b:s31+s3], $0x1870, $0x38;
	[tilespmem:$0x1B7B8] =	vst v63  }
0x1d: {  	_ =	swait.ge [sflag:s12], $0x1870  }
0x1e: {  	[sflag:s12] =	ssyncset.done $0x0  }
0x1f: {  	[sflag:s12] =	ssyncadd.s32 $0xFFFFE790  }
0x20: {  	[spmem:s2] =	stream.indirect.scatter.add.f32 [tilespmem:s14], [sflag:$0x2], $0x8, s13, s13, $0xb8;
	[tilespmem:$0x1B7B8] =	vst v63  }
0x21: {  	_ =	swait.ge [sflag:s12], $0xC380  }
0x22: {  	s18 =	simm.s32 $0x61C;
	s17 =	simm.s32 $0x30E;
	[sflag:s12] =	ssyncset.done $0x0  }
.LBB2_2:
0x23: {  	s19 =	sadd.s32 s17, s10  }
0x24: {  	[sflag:s12] =	ssyncadd.s32 $0xFFFF3C80;
	s20 =	smov.u32 s18;
	s21 =	sadd.s32 $0x30E, s18  }
0x25: {  	[tilespmem:s3], [sflag:$0x2] =	stream.linear.gather [hbm4b:s19+s3], $0x1870, $0x38;
	[tilespmem:$0x1B7B8] =	vst v63  }
0x26: {  	p0 =	sne.s32 s18, $0x1562;
	_ =	swait.ge [sflag:s12], $0x1870  }
0x27: {  	[sflag:s12] =	ssyncset.done $0x0  }
0x28: {  	[sflag:s12] =	ssyncadd.s32 $0xFFFFE790  }
0x29: {  	[tilespmem:s14], [sflag:$0x1] =	stream.indirect.gather [hbm4b:s4+s13], $0x8, s3, s13, $0xb8;
	[tilespmem:$0x1B7B8] =	vst v63  }
0x2a: {  	_ =	swait.ge [sflag:s15], $0xC380  }
0x2b: {  	[sflag:s15] =	ssyncset.done $0x0  }
0x2c: {  	s18 =	sadd.s32 s17, s9;
	s17 =	smov.u32 s20;
	[sflag:s15] =	ssyncadd.s32 $0xFFFF3C80  }
0x2d: {  	[tilespmem:s13], [sflag:$0x2] =	stream.linear.gather [hbm4b:s18+s3], $0x1870, $0x38;
	[tilespmem:$0x1B7B8] =	vst v63  }
0x2e: {  	_ =	swait.ge [sflag:s12], $0x1870  }
.Ltmp0:
0x2f: {  	[sflag:s12] =	ssyncset.done $0x0;
	(pc) =	sbr.rel @p0 .LBB2_2-.Ltmp0, $4  }
0x30: {  	[sflag:s12] =	ssyncadd.s32 $0xFFFFE790  }
0x31: {  	[spmem:s2] =	stream.indirect.scatter.add.f32 [tilespmem:s14], [sflag:$0x2], $0x8, s13, s13, $0xb8;
	[tilespmem:$0x1B7B8] =	vst v63  }
0x32: {  	_ =	swait.ge [sflag:s12], $0xC380  }
0x33: {  	s18 =	smov.u32 s21;
	[sflag:s12] =	ssyncset.done $0x0  }
0x34: {  	s18 =	sadd.s32 s17, s10;
	[sflag:s12] =	ssyncadd.s32 $0xFFFF3C80  }
0x35: {  	[tilespmem:s3], [sflag:$0x2] =	stream.linear.gather [hbm4b:s18+s3], $0x1870, $0x38;
	[tilespmem:$0x1B7B8] =	vst v63  }
0x36: {  	_ =	swait.ge [sflag:s12], $0x1870  }
0x37: {  	[sflag:s12] =	ssyncset.done $0x0  }
0x38: {  	[sflag:s12] =	ssyncadd.s32 $0xFFFFE790  }
0x39: {  	[tilespmem:s14], [sflag:$0x1] =	stream.indirect.gather [hbm4b:s4+s13], $0x8, s3, s13, $0xb8;
	[tilespmem:$0x1B7B8] =	vst v63  }
0x3a: {  	_ =	swait.ge [sflag:s15], $0xC380  }
0x3b: {  	[sflag:s15] =	ssyncset.done $0x0  }
0x3c: {  	s31 =	sadd.s32 s17, s9;
	[sflag:s15] =	ssyncadd.s32 $0xFFFF3C80  }
0x3d: {  	[tilespmem:s13], [sflag:$0x2] =	stream.linear.gather [hbm4b:s31+s3], $0x1870, $0x38;
	[tilespmem:$0x1B7B8] =	vst v63  }
0x3e: {  	_ =	swait.ge [sflag:s12], $0x1870  }
0x3f: {  	[sflag:s12] =	ssyncset.done $0x0  }
0x40: {  	[sflag:s12] =	ssyncadd.s32 $0xFFFFE790  }
0x41: {  	[spmem:s2] =	stream.indirect.scatter.add.f32 [tilespmem:s14], [sflag:$0x2], $0x8, s13, s13, $0xb8;
	[tilespmem:$0x1B7B8] =	vst v63  }
0x42: {  	_ =	swait.ge [sflag:s12], $0xC380  }
0x43: {  	s16 =	sadd.s32 $0x1, s16;
	[sflag:s12] =	ssyncset.done $0x0  }
0x44: {  	p0 =	sne.s32 s16, s8;
	[sflag:s12] =	ssyncadd.s32 $0xFFFF3C80  }
.Ltmp1:
0x45: {  	[bflag:$0x0] =	sbarrier.arrive $0xFFFF;
	(pc) =	sbr.rel @p0 .LBB2_1-.Ltmp1, $4  }
0x46: {  	[hbm:s7], [sflag:s6] =	dma.local [spmem:s11], $0x186A  }
0x47: {  	_ =	swait.ge [sflag:s12], $0x186A  }
0x48: {  	[sflag:s12] =	ssyncset.done $0x0  }
0x49: {  	[sflag:s12] =	ssyncadd.s32 $0xFFFFE796  }
0x4a: {  	_ =	sfence.sel $0x180000  }
0x4b: {  	[bflag:$0x0] =	sbarrier.arrive $0xFFFF  }
0x4c: {  	p0 =	sne.s32 s0, $0x0;
	_ =	strace $0x90000047  }
0x4d: {  	s0 =	sadd.s32 @!p0 $0x100000, s1;
	[bflag:$0x2] =	sbarrier.arrive $0xFFFF  }
0x4e: {  	[sflag:s0] =	ssyncadd.tile.s32 @!p0 $0x1;
	_ =	shalt  }
.Lfunc_end2:
_tile_overlayer_lowered:
.L_overlay_start_2:
0x4f: {  	(tag) =	ssettag $0x2  }
0x50: {  	s0 =	rddreg [dreg:$0x0];
	s2 =	stileid.u32  }
0x51: {  	s1 =	rddreg [dreg:$0x1];
	p0 =	sne.s32 s2, $0x0  }
0x52: {  	s3 =	rddreg [dreg:$0x2];
	[bflag:$0x3] =	sbarrier.arrive $0xFFFF;
	s2 =	simm.s32 @!p0 $0x1C02  }
0x53: {  	[timem:s3], [sflag:s2] =	dma.local @!p0 [hbm:s0], s1  }
0x54: {  	s0 =	simm.s32 @!p0 $0x2  }
0x55: {  	_ =	swait.ge @!p0 [sflag:s0], s1  }
0x56: {  	s1 =	ssub.s32 @!p0 $0x0, s1;
	[sflag:s0] =	ssyncset.done @!p0 $0x0  }
0x57: {  	[sflag:s0] =	ssyncadd.s32 @!p0 s1  }
0x58: {  	[bflag:$0x3] =	sbarrier.arrive $0xFFFF  }
0x59: {  	_ =	shalt  }

// kernel: kernel.9.cloned.1.call-start
scs
__scs_entry_jumppad:
0x0: {  	(pc) =	sbr.rel $0x88, $3  }
0x1: {  	(tag) =	ssettag $0x0;
	lr =	simm.s32 $0x1  }
0x2: {  	[smem:$0x3F92] =	sst lr;
	_ =	strace $0xD0000000  }
0x3: {  	_ = 	snop  }
0x4: {  	_ = 	snop  }
0x5: {  	_ = 	snop  }
0x6: {  	_ = 	snop  }
0x7: {  	_ = 	snop  }
__scs_overlays_trampoline_lowered:
0x8: {  	[smem:$0x3FA1] =	sst s0  }
0x9: {  	[smem:$0x3FA2] =	sst s1  }
0xa: {  	[smem:$0x3FA3] =	sst s2  }
0xb: {  	[smem:$0x3FA4] =	sst s3  }
0xc: {  	[smem:$0x3FA5] =	sst s4  }
0xd: {  	[smem:$0x3FA6] =	sst s5  }
0xe: {  	[smem:$0x3FA7] =	sst s6  }
0xf: {  	[smem:$0x3FA8] =	sst s7  }
0x10: {  	[smem:$0x3FA9] =	sst s8  }
0x11: {  	[smem:$0x3FAA] =	sst s9;
	s0 =	simm.s32 @!p0 $0x0  }
0x12: {  	s1 =	sld [smem:$0x3F90];
	s0 =	simm.s32 @p0 $0x1  }
0x13: {  	[smem:$0x3FAB] =	sst s0;
	s0 =	simm.s32 @!p1 $0x0  }
0x14: {  	s2 =	sld [smem:$0x3F8F];
	s0 =	simm.s32 @p1 $0x1  }
0x15: {  	[smem:$0x3FAC] =	sst s0;
	s0 =	simm.s32 @!p2 $0x0  }
0x16: {  	s3 =	sld [smem:$0x3FDB];
	s0 =	simm.s32 @p2 $0x1  }
0x17: {  	s4 =	simm.s32 $0x1BF5;
	[smem:$0x3FAE] =	sst s0  }
0x18: {  	s0 =	sld [smem:$0x3F91];
	_ =	swait.ge [sflag:s4], $0x0  }
0x19: {  	s7 =	sld [smem:$0x3F92]  }
0x1a: {  	s8 =	sadd.s32 $0xFFFFE003, lr  }
0x1b: {  	s9 =	sadd.s32 $0xFFFFFEF7, lr;
	s5 =	simm.s32 $0xFFFFFFFF;
	p2 =	slt.u32 s8, $0xFFFFF086  }
0x1c: {  	p1 =	slt.u32 s9, $0xF7A;
	s5 =	simm.s32 @!p2 $0x0  }
0x1d: {  	s5 =	simm.s32 @p1 $0x1;
	p0 =	seq.s32 s7, s2  }
0x1e: {  	s7 =	smul.u32 @!p0 $0xF7A, s2;
	p2 =	seq.s32 @!p0 s5, $0x0  }
0x1f: {  	s9 =	smul.u32 $0xF7A, s1;
	s8 =	simm.s32 @!p0 $0x1BF5;
	p2 =	por !p2, p0  }
0x20: {  	[sflag:s8] =	ssyncset.s32 @!p0 $0xFFFFF086;
	s6 =	sadd.s32 @!p0 s3, s7;
	s7 =	simm.s32 @!p0 $0x108  }
0x21: {  	s3 =	sadd.s32 s3, s9;
	s6 =	sadd.s32 @!p0 $0x88, s6;
	s7 =	simm.s32 @p2 $0x1082  }
0x22: {  	[simem:s7], [sflag:s8] =	dma.local @!p0 [hbm:s6], $0xF7A  }
0x23: {  	s9 =	sor.u32 $0xD0000000, s2;
	s6 =	simm.s32 $0x108;
	_ =	swait.ge @!p0 [sflag:s8], $0x0  }
0x24: {  	s3 =	sadd.s32 $0x88, s3;
	s6 =	simm.s32 @!p1 $0x1082;
	[sflag:s4] =	ssyncset.s32 $0xFFFFF086  }
0x25: {  	[simem:s6], [sflag:s4] =	dma.local [hbm:s3], $0xF7A  }
0x26: {  	[smem:$0x3F92] =	sst s1;
	(tag) =	ssettag s2;
	_ =	strace s9  }
0x27: {  	s1 =	sld [smem:$0x3FA2]  }
0x28: {  	s2 =	sld [smem:$0x3FA3]  }
0x29: {  	s4 =	sld [smem:$0x3FA5]  }
0x2a: {  	p0 =	seq.s32 s5, $0x0;
	s5 =	sld [smem:$0x3FA6]  }
0x2b: {  	s6 =	sld [smem:$0x3FA7]  }
0x2c: {  	s7 =	sld [smem:$0x3FA8]  }
0x2d: {  	s3 =	simm.s32 $0x108;
	s8 =	sld [smem:$0x3FA9]  }
0x2e: {  	s3 =	simm.s32 @!p0 $0x1082;
	s9 =	sld [smem:$0x3FAA]  }
0x2f: {  	lr =	sadd.s32 s0, s3;
	s0 =	sld [smem:$0x3FA1]  }
0x30: {  	s3 =	sld [smem:$0x3FA4]  }
0x31: {  	[smem:$0x3FAD] =	sst s10  }
0x32: {  	s10 =	sld [smem:$0x3FAB];
	_ =	sdelay $0x3  }
0x33: {  	p0 =	seq.s32 s10, $0x1;
	s10 =	sld [smem:$0x3FAD];
	_ =	sdelay $0x3  }
0x34: {  	[smem:$0x3FAD] =	sst s10  }
0x35: {  	s10 =	sld [smem:$0x3FAC];
	_ =	sdelay $0x3  }
0x36: {  	p1 =	seq.s32 s10, $0x1;
	s10 =	sld [smem:$0x3FAD];
	_ =	sdelay $0x3  }
0x37: {  	[smem:$0x3FAD] =	sst s10  }
0x38: {  	s10 =	sld [smem:$0x3FAE]  }
0x39: {  	_ = 	snop;
	(pc) =	sbr.ind lr, $3  }
0x3a: {  	_ = 	snop  }
0x3b: {  	_ = 	snop  }
0x3c: {  	p2 =	seq.s32 s10, $0x1;
	s10 =	sld [smem:$0x3FAD]  }
0x3d: {  	_ =	shalt  }
0x3e: {  	_ =	shalt  }
0x3f: {  	_ =	shalt  }
0x40: {  	_ =	shalt  }
0x41: {  	_ =	shalt  }
0x42: {  	_ =	shalt  }
0x43: {  	_ =	shalt  }
0x44: {  	_ =	shalt  }
0x45: {  	_ =	shalt  }
0x46: {  	_ =	shalt  }
0x47: {  	_ =	shalt  }
0x48: {  	_ =	shalt  }
0x49: {  	_ =	shalt  }
0x4a: {  	_ =	shalt  }
0x4b: {  	_ =	shalt  }
0x4c: {  	_ =	shalt  }
0x4d: {  	_ =	shalt  }
0x4e: {  	_ =	shalt  }
0x4f: {  	_ =	shalt  }
0x50: {  	_ =	shalt  }
0x51: {  	_ =	shalt  }
0x52: {  	_ =	shalt  }
0x53: {  	_ =	shalt  }
0x54: {  	_ =	shalt  }
0x55: {  	_ =	shalt  }
0x56: {  	_ =	shalt  }
0x57: {  	_ =	shalt  }
0x58: {  	_ =	shalt  }
0x59: {  	_ =	shalt  }
0x5a: {  	_ =	shalt  }
0x5b: {  	_ =	shalt  }
0x5c: {  	_ =	shalt  }
0x5d: {  	_ =	shalt  }
0x5e: {  	_ =	shalt  }
0x5f: {  	_ =	shalt  }
0x60: {  	_ =	shalt  }
0x61: {  	_ =	shalt  }
0x62: {  	_ =	shalt  }
0x63: {  	_ =	shalt  }
0x64: {  	_ =	shalt  }
0x65: {  	_ =	shalt  }
0x66: {  	_ =	shalt  }
0x67: {  	_ =	shalt  }
0x68: {  	_ =	shalt  }
0x69: {  	_ =	shalt  }
0x6a: {  	_ =	shalt  }
0x6b: {  	_ =	shalt  }
0x6c: {  	_ =	shalt  }
0x6d: {  	_ =	shalt  }
0x6e: {  	_ =	shalt  }
0x6f: {  	_ =	shalt  }
0x70: {  	_ =	shalt  }
0x71: {  	_ =	shalt  }
0x72: {  	_ =	shalt  }
0x73: {  	_ =	shalt  }
0x74: {  	_ =	shalt  }
0x75: {  	_ =	shalt  }
0x76: {  	_ =	shalt  }
0x77: {  	_ =	shalt  }
0x78: {  	_ =	shalt  }
0x79: {  	_ =	shalt  }
0x7a: {  	_ =	shalt  }
0x7b: {  	_ =	shalt  }
0x7c: {  	_ =	shalt  }
0x7d: {  	_ =	shalt  }
0x7e: {  	_ =	shalt  }
0x7f: {  	_ =	shalt  }
0x80: {  	_ =	shalt  }
0x81: {  	_ =	shalt  }
0x82: {  	_ =	shalt  }
0x83: {  	_ =	shalt  }
0x84: {  	_ =	shalt  }
0x85: {  	_ =	shalt  }
0x86: {  	_ =	shalt  }
0x87: {  	_ =	shalt  }
.Lfunc_end0:
.L_simem_size_0:
called_computation.1_lowered:
.L_overlay_start_0:
0x88: {  	s2 =	sld [smem:$0x3FD9]  }
0x89: {  	s3 =	sld [smem:$0x3FFE];
	_ =	sdelay $0x1  }
0x8a: {  	s1 =	srdreg.scid  }
0x8b: {  	s0 =	sand.u32 $0x1, s1  }
0x8c: {  	s16 =	sshll.u32 s0, $0xA;
	s2 =	sadd.s32 s3, s2  }
0x8d: {  	s2 =	sadd.s32 s2, s16  }
0x8e: {  	[smem:$0x3FB9] =	sst s2  }
0x8f: {  	_ = 	snop  }
0x90: {  	(tm) =	ssettm $0x1  }
0x91: {  	s17 =	sld [smem:$0x3FFB];
	_ =	sdelay $0x3  }
0x92: {  	_ =	strace s17  }
0x93: {  	s2 =	sld [smem:$0x3FFC];
	_ =	sdelay $0x3  }
0x94: {  	_ =	strace s2  }
0x95: {  	s2 =	sld [smem:$0x3FFD];
	_ =	sdelay $0x3  }
0x96: {  	_ =	strace s2  }
0x97: {  	_ =	strace $0x8FFFFFFF  }
0x98: {  	s18 =	sld [smem:$0x3FDB];
	_ =	sdelay $0x1  }
0x99: {  	s19 =	simm.s32 $_scs_section_size  }
0x9a: {  	s4 =	simm.s32 $_size__tile_overlayer_lowered;
	s5 =	simm.s32 $_tile_overlayer_lowered  }
0x9b: {  	s22 =	simm.s32 $0x1BFF;
	s21 =	sshll.u32 s5, $0x1;
	s2 =	sadd.s32 s19, s18  }
0x9c: {  	s6 =	simm.s32 $0x0;
	s20 =	sshll.u32 s4, $0x1;
	s4 =	sadd.s32 s21, s2  }
0x9d: {  	[timem:s6], [sflag:s22] =	dma.local [hbm:s4], s20  }
0x9e: {  	_ =	swait.ge [sflag:s22], s20  }
0x9f: {  	s3 =	ssub.s32 $0x0, s20;
	[sflag:s22] =	ssyncset.done $0x0  }
0xa0: {  	[sflag:s22] =	ssyncadd.s32 s3;
	_ =	sdelay $0x1  }
0xa1: {  	s23 =	simm.s32 $0x1B8B  }
0xa2: {  	_ =	swait.ge [sflag:s23], $0x1  }
0xa3: {  	[sflag:s23] =	ssyncset.done $0x0  }
0xa4: {  	s25 =	simm.s32 $0x1B8E;
	s24 =	sld [smem:$0x3FFE];
	[sflag:s23] =	ssyncadd.s32 $0xFFFFFFFF  }
0xa5: {  	s26 =	simm.s32 $execute0_lowered;
	[smem:$0x3FD2] =	sst s25  }
0xa6: {  	s4 =	sshll.u32 s26, $0x1;
	_ =	strace $0x80000049;
	[dreg:$0x1] =	wrdreg $0xFFFFFFFF  }
0xa7: {  	s28 =	simm.s32 $_size_execute0_lowered;
	s2 =	sadd.s32 s2, s4;
	[dreg:$0x0] =	wrdreg $0x0  }
0xa8: {  	s4 =	sshll.u32 s28, $0x1;
	[dreg:$0x2] =	wrdreg s2  }
0xa9: {  	[dreg:$0x3] =	wrdreg s4  }
0xaa: {  	[dreg:$0x4] =	wrdreg $0xC0  }
0xab: {  	_ =	task [dreg:s6], $0x5FFFF  }
0xac: {  	[dreg:$0x1] =	wrdreg $0xFFFFFFFF  }
0xad: {  	[dreg:$0x0] =	wrdreg $0x60  }
0xae: {  	[dreg:$0x2] =	wrdreg s24  }
0xaf: {  	[dreg:$0x3] =	wrdreg $0x70800  }
0xb0: {  	[dreg:$0x4] =	wrdreg $0x9  }
0xb1: {  	_ =	task.clear_ibuf [dreg:s6], $0x5FFFF;
	_ =	strace $0x90000049  }
0xb2: {  	s29 =	simm.s32 $0x9;
	_ =	strace $0x8000004B  }
0xb3: {  	_ =	swait.ge [sflag:s29], $0x1  }
0xb4: {  	[sflag:s29] =	ssyncadd.s32 $0xFFFFFFFF  }
0xb5: {  	_ =	strace $0x9000004B  }
0xb6: {  	_ =	sfence  }
0xb7: {  	s30 =	sld [smem:$0x0];
	_ =	sdelay $0x2  }
0xb8: {  	s31 =	sshll.u32 s1, $0xD;
	s1 =	sshrl.u32 s1, $0x2  }
0xb9: {  	s3 =	sand.u32 $0x4000, s31;
	s1 =	sadd.s32 s1, s30  }
0xba: {  	s0 =	sor.u32 s3, s0;
	s1 =	sshll.u32 s1, $0x11  }
0xbb: {  	s0 =	sor.u32 s1, s0  }
0xbc: {  	s0 =	sadd.s32 $0x8F2B, s0  }
0xbd: {  	[sflag:s0] =	ssyncadd.remote.s32 $0x1  }
0xbe: {  	_ =	sfence.sel $0xFFFF  }
0xbf: {  	[dreg:$0x0] =	wrdreg $0xFFFFFFFF;
	(pc) =	sbr.abs _section_cstart, $3  }
0xc0: {  	[dreg:$0x1] =	wrdreg $0xFFFFFFFF  }
0xc1: {  	_ =	task.clear_ibuf [dreg:s6], $0x2FFFF;
	_ =	strace $0x9FFFFFFF  }
0xc2: {  	(tm) =	ssettm $0x7FFFFFFF  }
0xc3: {  	_ =	shalt  }
tec
execute0_lowered:
.L_overlay_start_1:
0x0: {  	(tag) =	ssettag $0x1  }
0x1: {  	s7 =	rddreg [dreg:$0x0]  }
0x2: {  	s2 =	rddreg [dreg:$0x1]  }
0x3: {  	s0 =	rddreg [dreg:$0x2];
	s1 =	stileid.u32  }
0x4: {  	s4 =	srdreg.scid;
	s3 =	simm.s32 $0x0;
	s16 =	simm.s32 $0x3  }
0x5: {  	s17 =	simm.s32 $0x640;
	s18 =	simm.s32 $0x320;
	s19 =	simm.s32 $0xC80  }
0x6: {  	s20 =	simm.s32 $0x960;
	s21 =	simm.s32 $0x3E80;
	s23 =	simm.s32 $0x2  }
0x7: {  	s24 =	simm.s32 $0x0;
	s8 =	sand.u32 $0x1, s4;
	s9 =	smul.u32 $0x186A, s1  }
0x8: {  	[smem:$0x7FF] =	sst s3;
	s4 =	sadd.s32 $0x2200, s7;
	s12 =	smul.u32 $0x186A0, s1  }
0x9: {  	s5 =	sadd.s32 $0x264C00, s7;
	s6 =	sadd.s32 $0x233E00, s7;
	s31 =	sshll.u32 s1, $0x6  }
0xa: {  	s22 =	smul.u32 $0x186A0, s8;
	_ =	strace $0x8000004A;
	s8 =	ssub.s32 $0x2, s8  }
0xb: {  	s10 =	sshrl.u32 s12, $0x3;
	s30 =	sshrl.u32 s8, $0x1;
	s15 =	sadd.s32 s12, s2  }
0xc: {  	s9 =	sadd.s32 s9, s22;
	s11 =	sadd.s32 s10, s7;
	s14 =	ssub.s32 s8, s30  }
0xd: {  	s8 =	sor.u32 $0x1C03, s31;
	s15 =	sshrl.u32 s15, $0x3;
	s9 =	sshll.u32 s9, $0x1  }
0xe: {  	v0 =	vmov s22;
	s22 =	simm.s32 $0x1;
	s14 =	smax.u32 s14, $0x1;
	s13 =	sadd.s32 s9, s7  }
0xf: {  	s7 =	sadd.s32 $0x63E00, s11;
	s9 =	sadd.s32 s5, s10;
	s10 =	sadd.s32 s6, s10  }
0x10: {  	s11 =	sadd.s32 $0x320, s12;
	s12 =	sadd.s32 $0x640, s12;
	s13 =	sadd.s32 $0x94C00, s13  }
.LBB2_1:
0x11: {  	[spmem:s15], [sflag:s8] =	dma.local [hbm:s7], $0x30D4  }
0x12: {  	_ =	swait.ge [sflag:s16], $0x30D4  }
0x13: {  	[sflag:s16] =	ssyncset.done $0x0  }
0x14: {  	[sflag:s16] =	ssyncadd.s32 $0xFFFFCF2C  }
0x15: {  	[bflag:$0x0] =	sbarrier.arrive $0xFFFF  }
0x16: {  	[tilespmem:s3], [sflag:$0x3] =	stream.linear.gather [hbm4b:s9+s3], $0x320, $0x38;
	[tilespmem:$0x1F720] =	vst v63  }
0x17: {  	_ =	swait.ge [sflag:s16], $0x320  }
0x18: {  	[sflag:s16] =	ssyncset.done $0x0  }
0x19: {  	s25 =	simm.s32 $0x0;
	s26 =	simm.s32 $0x40;
	[sflag:s16] =	ssyncadd.s32 $0xFFFFFCE0  }
.LBB2_2:
0x1a: {  	p0 =	sne.s32 s26, $0xC40;
	v1 =	vld [tilespmem:s25+$0x0];
	_ =	sdelay $0x1  }
.Ltmp0:
0x1b: {  	(pc) =	sbr.rel @p0 .LBB2_2-.Ltmp0, $3  }
0x1c: {  	_ =	sdelay $0x1  }
0x1d: {  	v1 =	vadd.s32 v0, v1  }
0x1e: {  	[tilespmem:s25+$0x0] =	vst v1;
	s25 =	sshra.s32 s26, $0x2;
	s26 =	sadd.s32 $0x40, s26  }
0x1f: {  	v1 =	vld [tilespmem:s25+$0x0];
	_ =	sdelay $0x4  }
0x20: {  	v1 =	vadd.s32 v0, v1  }
0x21: {  	[tilespmem:s25+$0x0] =	vst v1;
	s25 =	simm.s32 $0x0  }
0x22: {  	[tilespmem:s17], [sflag:$0x3] =	stream.linear.gather [hbm4b:s10+s25], $0x320, $0x38;
	[tilespmem:$0x1F720] =	vst v63  }
0x23: {  	_ =	swait.ge [sflag:s16], $0x320  }
0x24: {  	[sflag:s16] =	ssyncset.done $0x0  }
0x25: {  	s26 =	simm.s32 $0x0;
	[sflag:s16] =	ssyncadd.s32 $0xFFFFFCE0  }
0x26: {  	[tilespmem:s19], [sflag:$0x1] =	stream.indirect.gather [hbm4b:s4+s18], $0x10, s25, s18, $0xb8;
	[tilespmem:$0x1F720] =	vst v63  }
.LBB2_4:
0x27: {  	s28 =	smul.u32 $0x640, s26;
	_ =	sdelay $0x1  }
0x28: {  	s29 =	sadd.s32 s28, s11  }
0x29: {  	s29 =	sshrl.u32 s29, $0x3  }
0x2a: {  	s30 =	sadd.s32 s5, s29  }
0x2b: {  	[tilespmem:s18], [sflag:$0x3] =	stream.linear.gather [hbm4b:s30+s25], $0x320, $0x38;
	[tilespmem:$0x1F720] =	vst v63  }
0x2c: {  	_ =	swait.ge [sflag:s16], $0x320  }
0x2d: {  	[sflag:s16] =	ssyncset.done $0x0  }
0x2e: {  	s31 =	simm.s32 $0x40;
	s30 =	simm.s32 $0x0;
	[sflag:s16] =	ssyncadd.s32 $0xFFFFFCE0  }
.LBB2_5:
0x2f: {  	p0 =	sne.s32 s31, $0xC40;
	v1 =	vld [tilespmem:s30+$0x320];
	_ =	sdelay $0x1  }
.Ltmp1:
0x30: {  	(pc) =	sbr.rel @p0 .LBB2_5-.Ltmp1, $3  }
0x31: {  	_ =	sdelay $0x1  }
0x32: {  	v1 =	vadd.s32 v0, v1  }
0x33: {  	[tilespmem:s30+$0x320] =	vst v1;
	s30 =	sshra.s32 s31, $0x2;
	s31 =	sadd.s32 $0x40, s31  }
0x34: {  	v1 =	vld [tilespmem:s30+$0x320];
	_ =	sdelay $0x4  }
0x35: {  	v1 =	vadd.s32 v0, v1  }
0x36: {  	s29 =	sadd.s32 s6, s29;
	[tilespmem:s30+$0x320] =	vst v1;
	s30 =	simm.s32 $0x0  }
0x37: {  	[tilespmem:s20], [sflag:$0x3] =	stream.linear.gather [hbm4b:s29+s30], $0x320, $0x38;
	[tilespmem:$0x1F720] =	vst v63  }
0x38: {  	_ =	swait.ge [sflag:s16], $0x320  }
0x39: {  	[sflag:s16] =	ssyncset.done $0x0  }
0x3a: {  	[sflag:s16] =	ssyncadd.s32 $0xFFFFFCE0  }
0x3b: {  	[tilespmem:s21], [sflag:$0x2] =	stream.indirect.gather [hbm4b:s4+s18], $0x10, s18, s18, $0xb8;
	[tilespmem:$0x1F720] =	vst v63  }
0x3c: {  	_ =	swait.ge [sflag:s22], $0x3200  }
0x3d: {  	[sflag:s22] =	ssyncset.done $0x0  }
0x3e: {  	[sflag:s22] =	ssyncadd.s32 $0xFFFFCE00  }
0x3f: {  	[spmem:s2] =	stream.indirect.scatter.add.f32 [tilespmem:s19], [sflag:$0x3], $0x10, s17, s18, $0xb8;
	[tilespmem:$0x1F720] =	vst v63  }
0x40: {  	s28 =	sadd.s32 s28, s12;
	_ =	swait.ge [sflag:s16], $0x3200  }
0x41: {  	s28 =	sshrl.u32 s28, $0x3;
	[sflag:s16] =	ssyncset.done $0x0  }
0x42: {  	s29 =	sadd.s32 s5, s28;
	[sflag:s16] =	ssyncadd.s32 $0xFFFFCE00  }
0x43: {  	[tilespmem:s30], [sflag:$0x3] =	stream.linear.gather [hbm4b:s29+s30], $0x320, $0x38;
	[tilespmem:$0x1F720] =	vst v63  }
0x44: {  	_ =	swait.ge [sflag:s16], $0x320  }
0x45: {  	[sflag:s16] =	ssyncset.done $0x0  }
0x46: {  	s29 =	simm.s32 $0x0;
	s30 =	simm.s32 $0x40;
	[sflag:s16] =	ssyncadd.s32 $0xFFFFFCE0  }
.LBB2_7:
0x47: {  	p0 =	sne.s32 s30, $0xC40;
	v1 =	vld [tilespmem:s29+$0x0];
	_ =	sdelay $0x1  }
.Ltmp2:
0x48: {  	(pc) =	sbr.rel @p0 .LBB2_7-.Ltmp2, $3  }
0x49: {  	_ =	sdelay $0x1  }
0x4a: {  	v1 =	vadd.s32 v0, v1  }
0x4b: {  	[tilespmem:s29+$0x0] =	vst v1;
	s29 =	sshra.s32 s30, $0x2;
	s30 =	sadd.s32 $0x40, s30  }
0x4c: {  	v1 =	vld [tilespmem:s29+$0x0];
	_ =	sdelay $0x4  }
0x4d: {  	v1 =	vadd.s32 v0, v1  }
0x4e: {  	s28 =	sadd.s32 s6, s28;
	[tilespmem:s29+$0x0] =	vst v1  }
0x4f: {  	[tilespmem:s17], [sflag:$0x3] =	stream.linear.gather [hbm4b:s28+s3], $0x320, $0x38;
	[tilespmem:$0x1F720] =	vst v63  }
0x50: {  	_ =	swait.ge [sflag:s16], $0x320  }
0x51: {  	[sflag:s16] =	ssyncset.done $0x0  }
0x52: {  	[sflag:s16] =	ssyncadd.s32 $0xFFFFFCE0  }
0x53: {  	[tilespmem:s19], [sflag:$0x1] =	stream.indirect.gather [hbm4b:s4+s18], $0x10, s3, s18, $0xb8;
	[tilespmem:$0x1F720] =	vst v63  }
0x54: {  	s26 =	sadd.s32 $0x1, s26;
	_ =	swait.ge [sflag:s23], $0x3200  }
0x55: {  	p0 =	sne.s32 s26, $0x3E;
	[sflag:s23] =	ssyncset.done $0x0  }
.Ltmp3:
0x56: {  	[sflag:s23] =	ssyncadd.s32 $0xFFFFCE00;
	(pc) =	sbr.rel @p0 .LBB2_4-.Ltmp3, $4  }
0x57: {  	[spmem:s2] =	stream.indirect.scatter.add.f32 [tilespmem:s21], [sflag:$0x3], $0x10, s20, s18, $0xb8;
	[tilespmem:$0x1F720] =	vst v63  }
0x58: {  	_ =	swait.ge [sflag:s16], $0x3200  }
0x59: {  	[sflag:s16] =	ssyncset.done $0x0  }
0x5a: {  	[sflag:s16] =	ssyncadd.s32 $0xFFFFCE00  }
0x5b: {  	_ =	swait.ge [sflag:s22], $0x3200  }
0x5c: {  	[sflag:s22] =	ssyncset.done $0x0  }
0x5d: {  	[sflag:s22] =	ssyncadd.s32 $0xFFFFCE00  }
0x5e: {  	[spmem:s2] =	stream.indirect.scatter.add.f32 [tilespmem:s19], [sflag:$0x3], $0x10, s17, s18, $0xb8;
	[tilespmem:$0x1F720] =	vst v63  }
0x5f: {  	_ =	swait.ge [sflag:s16], $0x3200  }
0x60: {  	s24 =	sadd.s32 $0x1, s24;
	[sflag:s16] =	ssyncset.done $0x0  }
0x61: {  	p0 =	sne.s32 s24, s14;
	[sflag:s16] =	ssyncadd.s32 $0xFFFFCE00  }
.Ltmp4:
0x62: {  	[bflag:$0x0] =	sbarrier.arrive $0xFFFF;
	(pc) =	sbr.rel @p0 .LBB2_1-.Ltmp4, $4  }
0x63: {  	[hbm:s13], [sflag:s8] =	dma.local [spmem:s15], $0x30D4  }
0x64: {  	_ =	swait.ge [sflag:s16], $0x30D4  }
0x65: {  	[sflag:s16] =	ssyncset.done $0x0  }
0x66: {  	[sflag:s16] =	ssyncadd.s32 $0xFFFFCF2C  }
0x67: {  	_ =	sfence.sel $0x180000  }
0x68: {  	[bflag:$0x0] =	sbarrier.arrive $0xFFFF  }
0x69: {  	p0 =	sne.s32 s1, $0x0;
	_ =	strace $0x9000004A  }
0x6a: {  	s0 =	sadd.s32 @!p0 $0x100000, s0;
	[bflag:$0x2] =	sbarrier.arrive $0xFFFF  }
0x6b: {  	[sflag:s0] =	ssyncadd.tile.s32 @!p0 $0x1;
	_ =	shalt  }
.Lfunc_end2:
_tile_overlayer_lowered:
.L_overlay_start_2:
0x6c: {  	(tag) =	ssettag $0x2  }
0x6d: {  	s0 =	rddreg [dreg:$0x0];
	s2 =	stileid.u32  }
0x6e: {  	s1 =	rddreg [dreg:$0x1];
	p0 =	sne.s32 s2, $0x0  }
0x6f: {  	s3 =	rddreg [dreg:$0x2];
	[bflag:$0x3] =	sbarrier.arrive $0xFFFF;
	s2 =	simm.s32 @!p0 $0x1C03  }
0x70: {  	[timem:s3], [sflag:s2] =	dma.local @!p0 [hbm:s0], s1  }
0x71: {  	s0 =	simm.s32 @!p0 $0x3  }
0x72: {  	_ =	swait.ge @!p0 [sflag:s0], s1  }
0x73: {  	s1 =	ssub.s32 @!p0 $0x0, s1;
	[sflag:s0] =	ssyncset.done @!p0 $0x0  }
0x74: {  	[sflag:s0] =	ssyncadd.s32 @!p0 s1  }
0x75: {  	[bflag:$0x3] =	sbarrier.arrive $0xFFFF  }
0x76: {  	_ =	shalt  }

</sc_bundles>
